<compile_context>
chip_gen: v7x
topology: tpu7x:2x2x1
jax: 0.10.2.dev20260603
libtpu: 0.0.44.dev20260713+nightly
codegen_flags: <defaults>
</compile_context>

<pallas_src>
import functools

import jax
import jax.numpy as jnp
from jax import lax
from jax.experimental import pallas as pl
from jax.experimental.pallas import tpu as pltpu
from jax.experimental.pallas import tpu_sc as plsc

_DIM2 = 32
_BATCH = 16384
_FIELDS = 26
_B = _BATCH * _FIELDS

_info = plsc.get_sparse_core_info()
_NC = _info.num_cores
_NS = _info.num_subcores
_NW = _NC * _NS
_B_PER_W = _B // _NW
_CHUNK = 128
_N_CHUNKS = _B_PER_W // _CHUNK
_K = 13
_GROUP = _K * _CHUNK
_NG = _N_CHUNKS // _K


@functools.partial(
    pl.kernel,
    mesh=plsc.VectorSubcoreMesh(core_axis_name="c", subcore_axis_name="s"),
    out_type=jax.ShapeDtypeStruct((_NW, _B_PER_W, _DIM2), jnp.float32),
    scratch_types=[
        pltpu.VMEM((_N_CHUNKS, _CHUNK), jnp.int32),
        pltpu.VMEM((_GROUP, _DIM2), jnp.float32),
        pltpu.VMEM((_GROUP, _DIM2), jnp.float32),
        pltpu.SemaphoreType.DMA,
        pltpu.SemaphoreType.DMA,
        pltpu.SemaphoreType.DMA,
        pltpu.SemaphoreType.DMA,
    ],
    compiler_params=pltpu.CompilerParams(use_tc_tiling_on_sc=False),
)
def _gather_sc(x_hbm, table_hbm, out_hbm, idx_v, buf0, buf1, g0, g1, w0, w1):
    wid = lax.axis_index("s") * _NC + lax.axis_index("c")
    pltpu.sync_copy(x_hbm.at[wid], idx_v)
    bufs, gsems, wsems = (buf0, buf1), (g0, g1), (w0, w1)

    def wait_write(b):
        pltpu.make_async_copy(
            bufs[b], out_hbm.at[wid, pl.ds(0, _GROUP)], wsems[b]).wait()

    def do_group(gg, b, first):
        if not first:
            wait_write(b)
        handles = [
            pltpu.async_copy(
                table_hbm.at[idx_v.at[gg * _K + k]],
                bufs[b].at[pl.ds(k * _CHUNK, _CHUNK)],
                gsems[b])
            for k in range(_K)
        ]
        for h in handles:
            h.wait()
        pltpu.async_copy(
            bufs[b], out_hbm.at[wid, pl.ds(gg * _GROUP, _GROUP)], wsems[b])

    do_group(0, 0, True)
    do_group(1, 1, True)

    @pl.loop(0, _NG - 2, step=2)
    def _groups(g):
        do_group(g + 2, 0, False)
        do_group(g + 3, 1, False)

    wait_write(0)
    wait_write(1)


def kernel(x, table):
    xw = x.reshape(_NW, _N_CHUNKS, _CHUNK)
    out = _gather_sc(xw, table)
    return out.reshape(_BATCH, _FIELDS, _DIM2)

# --- scband reference (transcript-rebuilt; emitter-appended) ---
"""Pipeline reference for scband-box-registry-43971875176843 (READ-ONLY COPY).

The authoritative reference and input builder live on the scoring server;
editing this copy changes nothing except your own understanding.
"""

import jax, jax.numpy as jnp
import numpy as np

DIM = 16
ENTRIES = 1000000
BATCH = 16384
FIELDS = 26


def setup_inputs(seed: int = 0) -> dict:
    key = jax.random.key(seed)
    k_idx, k_center, k_offset = jax.random.split(key, 3)
    x = jax.random.randint(k_idx, (BATCH, FIELDS), 0, ENTRIES, dtype=jnp.int64 if jax.config.jax_enable_x64 else jnp.int32).astype(jnp.int32)
    # Embedding weight built as cat([center, offset], dim=1), per __init__
    # center ~ uniform(config.center) = uniform(-0.1, 0.1); offset ~ uniform(0.1, 0.5)
    center = jax.random.uniform(k_center, (ENTRIES, DIM), minval=-0.1, maxval=0.1, dtype=jnp.float32)
    offset = jax.random.uniform(k_offset, (ENTRIES, DIM), minval=0.1, maxval=0.5, dtype=jnp.float32)
    table = jnp.concatenate([center, offset], axis=1)  # [ENTRIES, 2*DIM]
    return {"x": x, "table": table}


def reference(x, table):
    # forward: embs = self.boxes(x); return embs  (plain embedding lookup)
    embs = jnp.take(table, x, axis=0)  # [BATCH, FIELDS, 2*DIM]
    return embs

if __name__ == "__main__":
    import jax
    _d = setup_inputs()
    print(jax.jit(kernel)(*tuple(_d.values())))

</pallas_src>

<mosaic_0001>
#map = affine_map<(d0, d1) -> (0, 0, 0)>
#map1 = affine_map<(d0, d1) -> (0, 0)>
module attributes {stable_mosaic.version = 14 : i64} {
  func.func @_gather_sc(%arg0: i32, %arg1: i32, %arg2: memref<32x104x128xi32, #tpu.memory_space<hbm>>, %arg3: memref<1000000x32xf32, #tpu.memory_space<hbm>>, %arg4: memref<32x13312x32xf32, #tpu.memory_space<hbm>>, %arg5: memref<104x128xi32, #tpu.memory_space<vmem>>, %arg6: memref<1664x32xf32, #tpu.memory_space<vmem>>, %arg7: memref<1664x32xf32, #tpu.memory_space<vmem>>, %arg8: memref<!tpu.dma_semaphore, #tpu.memory_space<semaphore_mem>>, %arg9: memref<!tpu.dma_semaphore, #tpu.memory_space<semaphore_mem>>, %arg10: memref<!tpu.dma_semaphore, #tpu.memory_space<semaphore_mem>>, %arg11: memref<!tpu.dma_semaphore, #tpu.memory_space<semaphore_mem>>) attributes {dimension_semantics = [#tpu.dimension_semantics<core_parallel>, #tpu.dimension_semantics<subcore_parallel>], iteration_bounds = array<i64: 2, 16>, scalar_prefetch = 0 : i64, scratch_operands = 7 : i64, tpu.core_type = #tpu.core_type<sc_vector_subcore>, window_params = [{transform_indices = #map}, {transform_indices = #map1}, {transform_indices = #map}]} {
    %mul3A = arith.constant 2 : i32
    %mul3A_0 = arith.muli %arg1, %mul3A : i32
    %add3A = arith.addi %mul3A_0, %arg0 : i32
    "tpu.region"() ({
      %run_scoped3A = tpu.sem_alloc : memref<!tpu.dma_semaphore, #tpu.memory_space<semaphore_mem>>
      %dma_start3A_555 = arith.constant 0 : i32
      %dma_start3A_556 = arith.constant 0 : i32
      %dma_start3A_557 = tpu.memref_slice %arg2[%add3A, %dma_start3A_555, %dma_start3A_556] : memref<32x104x128xi32, #tpu.memory_space<hbm>> -> memref<1x104x128xi32, #tpu.memory_space<hbm>>
      %dma_start3A_558 = tpu.memref_squeeze %dma_start3A_557 : memref<1x104x128xi32, #tpu.memory_space<hbm>> -> memref<104x128xi32, #tpu.memory_space<hbm>>
      %dma_start3A_559 = arith.constant 0 : i32
      %dma_start3A_560 = arith.constant 0 : i32
      %dma_start3A_561 = tpu.memref_slice %arg2[%add3A, %dma_start3A_559, %dma_start3A_560] : memref<32x104x128xi32, #tpu.memory_space<hbm>> -> memref<1x104x128xi32, #tpu.memory_space<hbm>>
      %dma_start3A_562 = tpu.memref_squeeze %dma_start3A_561 : memref<1x104x128xi32, #tpu.memory_space<hbm>> -> memref<104x128xi32, #tpu.memory_space<hbm>>
      tpu.enqueue_dma source(%dma_start3A_562 : memref<104x128xi32, #tpu.memory_space<hbm>>) target(%arg5 : memref<104x128xi32, #tpu.memory_space<vmem>>) target_semaphore(%run_scoped3A : memref<!tpu.dma_semaphore, #tpu.memory_space<semaphore_mem>>)
      %dma_wait3A_563 = arith.constant 0 : i32
      %dma_wait3A_564 = arith.constant 0 : i32
      %dma_wait3A_565 = tpu.memref_slice %arg2[%add3A, %dma_wait3A_563, %dma_wait3A_564] : memref<32x104x128xi32, #tpu.memory_space<hbm>> -> memref<1x104x128xi32, #tpu.memory_space<hbm>>
      %dma_wait3A_566 = tpu.memref_squeeze %dma_wait3A_565 : memref<1x104x128xi32, #tpu.memory_space<hbm>> -> memref<104x128xi32, #tpu.memory_space<hbm>>
      %dma_wait3A_567 = arith.constant 0 : i32
      %dma_wait3A_568 = arith.constant 0 : i32
      %dma_wait3A_569 = tpu.memref_slice %arg2[%add3A, %dma_wait3A_567, %dma_wait3A_568] : memref<32x104x128xi32, #tpu.memory_space<hbm>> -> memref<1x104x128xi32, #tpu.memory_space<hbm>>
      %dma_wait3A_570 = tpu.memref_squeeze %dma_wait3A_569 : memref<1x104x128xi32, #tpu.memory_space<hbm>> -> memref<104x128xi32, #tpu.memory_space<hbm>>
      tpu.wait_dma2 semaphore(%run_scoped3A : memref<!tpu.dma_semaphore, #tpu.memory_space<semaphore_mem>>) src(%dma_wait3A_570 : memref<104x128xi32, #tpu.memory_space<hbm>>) dst(%arg5 : memref<104x128xi32, #tpu.memory_space<vmem>>)
      tpu.yield
    }) : () -> ()
    %dma_start3A = arith.constant 0 : i32
    %dma_start3A_1 = arith.constant 0 : i32
    %dma_start3A_2 = arith.constant 0 : i32
    %dma_start3A_3 = tpu.memref_slice %arg6[%dma_start3A_1, %dma_start3A_2] : memref<1664x32xf32, #tpu.memory_space<vmem>> -> memref<128x32xf32, #tpu.memory_space<vmem>>
    %dma_start3A_4 = arith.constant 0 : i32
    %dma_start3A_5 = tpu.memref_slice %arg5[%dma_start3A, %dma_start3A_4] : memref<104x128xi32, #tpu.memory_space<vmem>> -> memref<1x128xi32, #tpu.memory_space<vmem>>
    %dma_start3A_6 = tpu.memref_squeeze %dma_start3A_5 : memref<1x128xi32, #tpu.memory_space<vmem>> -> memref<128xi32, #tpu.memory_space<vmem>>
    %dma_start3A_7 = arith.constant 0 : i32
    %dma_start3A_8 = arith.constant 0 : i32
    %dma_start3A_9 = tpu.memref_slice %arg3[%dma_start3A_7, %dma_start3A_8] : memref<1000000x32xf32, #tpu.memory_space<hbm>> -> memref<1000000x32xf32, #tpu.memory_space<hbm>>
    tpu.enqueue_indirect_dma source(%dma_start3A_9 : memref<1000000x32xf32, #tpu.memory_space<hbm>>) target(%dma_start3A_3 : memref<128x32xf32, #tpu.memory_space<vmem>>) offsets(%dma_start3A_6 : memref<128xi32, #tpu.memory_space<vmem>>) semaphore(%arg8 : memref<!tpu.dma_semaphore, #tpu.memory_space<semaphore_mem>>)
    %dma_start3A_10 = arith.constant 1 : i32
    %dma_start3A_11 = arith.constant 128 : i32
    %dma_start3A_12 = arith.constant 0 : i32
    %dma_start3A_13 = tpu.memref_slice %arg6[%dma_start3A_11, %dma_start3A_12] : memref<1664x32xf32, #tpu.memory_space<vmem>> -> memref<128x32xf32, #tpu.memory_space<vmem>>
    %dma_start3A_14 = arith.constant 0 : i32
    %dma_start3A_15 = tpu.memref_slice %arg5[%dma_start3A_10, %dma_start3A_14] : memref<104x128xi32, #tpu.memory_space<vmem>> -> memref<1x128xi32, #tpu.memory_space<vmem>>
    %dma_start3A_16 = tpu.memref_squeeze %dma_start3A_15 : memref<1x128xi32, #tpu.memory_space<vmem>> -> memref<128xi32, #tpu.memory_space<vmem>>
    %dma_start3A_17 = arith.constant 0 : i32
    %dma_start3A_18 = arith.constant 0 : i32
    %dma_start3A_19 = tpu.memref_slice %arg3[%dma_start3A_17, %dma_start3A_18] : memref<1000000x32xf32, #tpu.memory_space<hbm>> -> memref<1000000x32xf32, #tpu.memory_space<hbm>>
    tpu.enqueue_indirect_dma source(%dma_start3A_19 : memref<1000000x32xf32, #tpu.memory_space<hbm>>) target(%dma_start3A_13 : memref<128x32xf32, #tpu.memory_space<vmem>>) offsets(%dma_start3A_16 : memref<128xi32, #tpu.memory_space<vmem>>) semaphore(%arg8 : memref<!tpu.dma_semaphore, #tpu.memory_space<semaphore_mem>>)
    %dma_start3A_20 = arith.constant 2 : i32
    %dma_start3A_21 = arith.constant 256 : i32
    %dma_start3A_22 = arith.constant 0 : i32
    %dma_start3A_23 = tpu.memref_slice %arg6[%dma_start3A_21, %dma_start3A_22] : memref<1664x32xf32, #tpu.memory_space<vmem>> -> memref<128x32xf32, #tpu.memory_space<vmem>>
    %dma_start3A_24 = arith.constant 0 : i32
    %dma_start3A_25 = tpu.memref_slice %arg5[%dma_start3A_20, %dma_start3A_24] : memref<104x128xi32, #tpu.memory_space<vmem>> -> memref<1x128xi32, #tpu.memory_space<vmem>>
    %dma_start3A_26 = tpu.memref_squeeze %dma_start3A_25 : memref<1x128xi32, #tpu.memory_space<vmem>> -> memref<128xi32, #tpu.memory_space<vmem>>
    %dma_start3A_27 = arith.constant 0 : i32
    %dma_start3A_28 = arith.constant 0 : i32
    %dma_start3A_29 = tpu.memref_slice %arg3[%dma_start3A_27, %dma_start3A_28] : memref<1000000x32xf32, #tpu.memory_space<hbm>> -> memref<1000000x32xf32, #tpu.memory_space<hbm>>
    tpu.enqueue_indirect_dma source(%dma_start3A_29 : memref<1000000x32xf32, #tpu.memory_space<hbm>>) target(%dma_start3A_23 : memref<128x32xf32, #tpu.memory_space<vmem>>) offsets(%dma_start3A_26 : memref<128xi32, #tpu.memory_space<vmem>>) semaphore(%arg8 : memref<!tpu.dma_semaphore, #tpu.memory_space<semaphore_mem>>)
    %dma_start3A_30 = arith.constant 3 : i32
    %dma_start3A_31 = arith.constant 384 : i32
    %dma_start3A_32 = arith.constant 0 : i32
    %dma_start3A_33 = tpu.memref_slice %arg6[%dma_start3A_31, %dma_start3A_32] : memref<1664x32xf32, #tpu.memory_space<vmem>> -> memref<128x32xf32, #tpu.memory_space<vmem>>
    %dma_start3A_34 = arith.constant 0 : i32
    %dma_start3A_35 = tpu.memref_slice %arg5[%dma_start3A_30, %dma_start3A_34] : memref<104x128xi32, #tpu.memory_space<vmem>> -> memref<1x128xi32, #tpu.memory_space<vmem>>
    %dma_start3A_36 = tpu.memref_squeeze %dma_start3A_35 : memref<1x128xi32, #tpu.memory_space<vmem>> -> memref<128xi32, #tpu.memory_space<vmem>>
    %dma_start3A_37 = arith.constant 0 : i32
    %dma_start3A_38 = arith.constant 0 : i32
    %dma_start3A_39 = tpu.memref_slice %arg3[%dma_start3A_37, %dma_start3A_38] : memref<1000000x32xf32, #tpu.memory_space<hbm>> -> memref<1000000x32xf32, #tpu.memory_space<hbm>>
    tpu.enqueue_indirect_dma source(%dma_start3A_39 : memref<1000000x32xf32, #tpu.memory_space<hbm>>) target(%dma_start3A_33 : memref<128x32xf32, #tpu.memory_space<vmem>>) offsets(%dma_start3A_36 : memref<128xi32, #tpu.memory_space<vmem>>) semaphore(%arg8 : memref<!tpu.dma_semaphore, #tpu.memory_space<semaphore_mem>>)
    %dma_start3A_40 = arith.constant 4 : i32
    %dma_start3A_41 = arith.constant 512 : i32
    %dma_start3A_42 = arith.constant 0 : i32
    %dma_start3A_43 = tpu.memref_slice %arg6[%dma_start3A_41, %dma_start3A_42] : memref<1664x32xf32, #tpu.memory_space<vmem>> -> memref<128x32xf32, #tpu.memory_space<vmem>>
    %dma_start3A_44 = arith.constant 0 : i32
    %dma_start3A_45 = tpu.memref_slice %arg5[%dma_start3A_40, %dma_start3A_44] : memref<104x128xi32, #tpu.memory_space<vmem>> -> memref<1x128xi32, #tpu.memory_space<vmem>>
    %dma_start3A_46 = tpu.memref_squeeze %dma_start3A_45 : memref<1x128xi32, #tpu.memory_space<vmem>> -> memref<128xi32, #tpu.memory_space<vmem>>
    %dma_start3A_47 = arith.constant 0 : i32
    %dma_start3A_48 = arith.constant 0 : i32
    %dma_start3A_49 = tpu.memref_slice %arg3[%dma_start3A_47, %dma_start3A_48] : memref<1000000x32xf32, #tpu.memory_space<hbm>> -> memref<1000000x32xf32, #tpu.memory_space<hbm>>
    tpu.enqueue_indirect_dma source(%dma_start3A_49 : memref<1000000x32xf32, #tpu.memory_space<hbm>>) target(%dma_start3A_43 : memref<128x32xf32, #tpu.memory_space<vmem>>) offsets(%dma_start3A_46 : memref<128xi32, #tpu.memory_space<vmem>>) semaphore(%arg8 : memref<!tpu.dma_semaphore, #tpu.memory_space<semaphore_mem>>)
    %dma_start3A_50 = arith.constant 5 : i32
    %dma_start3A_51 = arith.constant 640 : i32
    %dma_start3A_52 = arith.constant 0 : i32
    %dma_start3A_53 = tpu.memref_slice %arg6[%dma_start3A_51, %dma_start3A_52] : memref<1664x32xf32, #tpu.memory_space<vmem>> -> memref<128x32xf32, #tpu.memory_space<vmem>>
    %dma_start3A_54 = arith.constant 0 : i32
    %dma_start3A_55 = tpu.memref_slice %arg5[%dma_start3A_50, %dma_start3A_54] : memref<104x128xi32, #tpu.memory_space<vmem>> -> memref<1x128xi32, #tpu.memory_space<vmem>>
    %dma_start3A_56 = tpu.memref_squeeze %dma_start3A_55 : memref<1x128xi32, #tpu.memory_space<vmem>> -> memref<128xi32, #tpu.memory_space<vmem>>
    %dma_start3A_57 = arith.constant 0 : i32
    %dma_start3A_58 = arith.constant 0 : i32
    %dma_start3A_59 = tpu.memref_slice %arg3[%dma_start3A_57, %dma_start3A_58] : memref<1000000x32xf32, #tpu.memory_space<hbm>> -> memref<1000000x32xf32, #tpu.memory_space<hbm>>
    tpu.enqueue_indirect_dma source(%dma_start3A_59 : memref<1000000x32xf32, #tpu.memory_space<hbm>>) target(%dma_start3A_53 : memref<128x32xf32, #tpu.memory_space<vmem>>) offsets(%dma_start3A_56 : memref<128xi32, #tpu.memory_space<vmem>>) semaphore(%arg8 : memref<!tpu.dma_semaphore, #tpu.memory_space<semaphore_mem>>)
    %dma_start3A_60 = arith.constant 6 : i32
    %dma_start3A_61 = arith.constant 768 : i32
    %dma_start3A_62 = arith.constant 0 : i32
    %dma_start3A_63 = tpu.memref_slice %arg6[%dma_start3A_61, %dma_start3A_62] : memref<1664x32xf32, #tpu.memory_space<vmem>> -> memref<128x32xf32, #tpu.memory_space<vmem>>
    %dma_start3A_64 = arith.constant 0 : i32
    %dma_start3A_65 = tpu.memref_slice %arg5[%dma_start3A_60, %dma_start3A_64] : memref<104x128xi32, #tpu.memory_space<vmem>> -> memref<1x128xi32, #tpu.memory_space<vmem>>
    %dma_start3A_66 = tpu.memref_squeeze %dma_start3A_65 : memref<1x128xi32, #tpu.memory_space<vmem>> -> memref<128xi32, #tpu.memory_space<vmem>>
    %dma_start3A_67 = arith.constant 0 : i32
    %dma_start3A_68 = arith.constant 0 : i32
    %dma_start3A_69 = tpu.memref_slice %arg3[%dma_start3A_67, %dma_start3A_68] : memref<1000000x32xf32, #tpu.memory_space<hbm>> -> memref<1000000x32xf32, #tpu.memory_space<hbm>>
    tpu.enqueue_indirect_dma source(%dma_start3A_69 : memref<1000000x32xf32, #tpu.memory_space<hbm>>) target(%dma_start3A_63 : memref<128x32xf32, #tpu.memory_space<vmem>>) offsets(%dma_start3A_66 : memref<128xi32, #tpu.memory_space<vmem>>) semaphore(%arg8 : memref<!tpu.dma_semaphore, #tpu.memory_space<semaphore_mem>>)
    %dma_start3A_70 = arith.constant 7 : i32
    %dma_start3A_71 = arith.constant 896 : i32
    %dma_start3A_72 = arith.constant 0 : i32
    %dma_start3A_73 = tpu.memref_slice %arg6[%dma_start3A_71, %dma_start3A_72] : memref<1664x32xf32, #tpu.memory_space<vmem>> -> memref<128x32xf32, #tpu.memory_space<vmem>>
    %dma_start3A_74 = arith.constant 0 : i32
    %dma_start3A_75 = tpu.memref_slice %arg5[%dma_start3A_70, %dma_start3A_74] : memref<104x128xi32, #tpu.memory_space<vmem>> -> memref<1x128xi32, #tpu.memory_space<vmem>>
    %dma_start3A_76 = tpu.memref_squeeze %dma_start3A_75 : memref<1x128xi32, #tpu.memory_space<vmem>> -> memref<128xi32, #tpu.memory_space<vmem>>
    %dma_start3A_77 = arith.constant 0 : i32
    %dma_start3A_78 = arith.constant 0 : i32
    %dma_start3A_79 = tpu.memref_slice %arg3[%dma_start3A_77, %dma_start3A_78] : memref<1000000x32xf32, #tpu.memory_space<hbm>> -> memref<1000000x32xf32, #tpu.memory_space<hbm>>
    tpu.enqueue_indirect_dma source(%dma_start3A_79 : memref<1000000x32xf32, #tpu.memory_space<hbm>>) target(%dma_start3A_73 : memref<128x32xf32, #tpu.memory_space<vmem>>) offsets(%dma_start3A_76 : memref<128xi32, #tpu.memory_space<vmem>>) semaphore(%arg8 : memref<!tpu.dma_semaphore, #tpu.memory_space<semaphore_mem>>)
    %dma_start3A_80 = arith.constant 8 : i32
    %dma_start3A_81 = arith.constant 1024 : i32
    %dma_start3A_82 = arith.constant 0 : i32
    %dma_start3A_83 = tpu.memref_slice %arg6[%dma_start3A_81, %dma_start3A_82] : memref<1664x32xf32, #tpu.memory_space<vmem>> -> memref<128x32xf32, #tpu.memory_space<vmem>>
    %dma_start3A_84 = arith.constant 0 : i32
    %dma_start3A_85 = tpu.memref_slice %arg5[%dma_start3A_80, %dma_start3A_84] : memref<104x128xi32, #tpu.memory_space<vmem>> -> memref<1x128xi32, #tpu.memory_space<vmem>>
    %dma_start3A_86 = tpu.memref_squeeze %dma_start3A_85 : memref<1x128xi32, #tpu.memory_space<vmem>> -> memref<128xi32, #tpu.memory_space<vmem>>
    %dma_start3A_87 = arith.constant 0 : i32
    %dma_start3A_88 = arith.constant 0 : i32
    %dma_start3A_89 = tpu.memref_slice %arg3[%dma_start3A_87, %dma_start3A_88] : memref<1000000x32xf32, #tpu.memory_space<hbm>> -> memref<1000000x32xf32, #tpu.memory_space<hbm>>
    tpu.enqueue_indirect_dma source(%dma_start3A_89 : memref<1000000x32xf32, #tpu.memory_space<hbm>>) target(%dma_start3A_83 : memref<128x32xf32, #tpu.memory_space<vmem>>) offsets(%dma_start3A_86 : memref<128xi32, #tpu.memory_space<vmem>>) semaphore(%arg8 : memref<!tpu.dma_semaphore, #tpu.memory_space<semaphore_mem>>)
    %dma_start3A_90 = arith.constant 9 : i32
    %dma_start3A_91 = arith.constant 1152 : i32
    %dma_start3A_92 = arith.constant 0 : i32
    %dma_start3A_93 = tpu.memref_slice %arg6[%dma_start3A_91, %dma_start3A_92] : memref<1664x32xf32, #tpu.memory_space<vmem>> -> memref<128x32xf32, #tpu.memory_space<vmem>>
    %dma_start3A_94 = arith.constant 0 : i32
    %dma_start3A_95 = tpu.memref_slice %arg5[%dma_start3A_90, %dma_start3A_94] : memref<104x128xi32, #tpu.memory_space<vmem>> -> memref<1x128xi32, #tpu.memory_space<vmem>>
    %dma_start3A_96 = tpu.memref_squeeze %dma_start3A_95 : memref<1x128xi32, #tpu.memory_space<vmem>> -> memref<128xi32, #tpu.memory_space<vmem>>
    %dma_start3A_97 = arith.constant 0 : i32
    %dma_start3A_98 = arith.constant 0 : i32
    %dma_start3A_99 = tpu.memref_slice %arg3[%dma_start3A_97, %dma_start3A_98] : memref<1000000x32xf32, #tpu.memory_space<hbm>> -> memref<1000000x32xf32, #tpu.memory_space<hbm>>
    tpu.enqueue_indirect_dma source(%dma_start3A_99 : memref<1000000x32xf32, #tpu.memory_space<hbm>>) target(%dma_start3A_93 : memref<128x32xf32, #tpu.memory_space<vmem>>) offsets(%dma_start3A_96 : memref<128xi32, #tpu.memory_space<vmem>>) semaphore(%arg8 : memref<!tpu.dma_semaphore, #tpu.memory_space<semaphore_mem>>)
    %dma_start3A_100 = arith.constant 10 : i32
    %dma_start3A_101 = arith.constant 1280 : i32
    %dma_start3A_102 = arith.constant 0 : i32
    %dma_start3A_103 = tpu.memref_slice %arg6[%dma_start3A_101, %dma_start3A_102] : memref<1664x32xf32, #tpu.memory_space<vmem>> -> memref<128x32xf32, #tpu.memory_space<vmem>>
    %dma_start3A_104 = arith.constant 0 : i32
    %dma_start3A_105 = tpu.memref_slice %arg5[%dma_start3A_100, %dma_start3A_104] : memref<104x128xi32, #tpu.memory_space<vmem>> -> memref<1x128xi32, #tpu.memory_space<vmem>>
    %dma_start3A_106 = tpu.memref_squeeze %dma_start3A_105 : memref<1x128xi32, #tpu.memory_space<vmem>> -> memref<128xi32, #tpu.memory_space<vmem>>
    %dma_start3A_107 = arith.constant 0 : i32
    %dma_start3A_108 = arith.constant 0 : i32
    %dma_start3A_109 = tpu.memref_slice %arg3[%dma_start3A_107, %dma_start3A_108] : memref<1000000x32xf32, #tpu.memory_space<hbm>> -> memref<1000000x32xf32, #tpu.memory_space<hbm>>
    tpu.enqueue_indirect_dma source(%dma_start3A_109 : memref<1000000x32xf32, #tpu.memory_space<hbm>>) target(%dma_start3A_103 : memref<128x32xf32, #tpu.memory_space<vmem>>) offsets(%dma_start3A_106 : memref<128xi32, #tpu.memory_space<vmem>>) semaphore(%arg8 : memref<!tpu.dma_semaphore, #tpu.memory_space<semaphore_mem>>)
    %dma_start3A_110 = arith.constant 11 : i32
    %dma_start3A_111 = arith.constant 1408 : i32
    %dma_start3A_112 = arith.constant 0 : i32
    %dma_start3A_113 = tpu.memref_slice %arg6[%dma_start3A_111, %dma_start3A_112] : memref<1664x32xf32, #tpu.memory_space<vmem>> -> memref<128x32xf32, #tpu.memory_space<vmem>>
    %dma_start3A_114 = arith.constant 0 : i32
    %dma_start3A_115 = tpu.memref_slice %arg5[%dma_start3A_110, %dma_start3A_114] : memref<104x128xi32, #tpu.memory_space<vmem>> -> memref<1x128xi32, #tpu.memory_space<vmem>>
    %dma_start3A_116 = tpu.memref_squeeze %dma_start3A_115 : memref<1x128xi32, #tpu.memory_space<vmem>> -> memref<128xi32, #tpu.memory_space<vmem>>
    %dma_start3A_117 = arith.constant 0 : i32
    %dma_start3A_118 = arith.constant 0 : i32
    %dma_start3A_119 = tpu.memref_slice %arg3[%dma_start3A_117, %dma_start3A_118] : memref<1000000x32xf32, #tpu.memory_space<hbm>> -> memref<1000000x32xf32, #tpu.memory_space<hbm>>
    tpu.enqueue_indirect_dma source(%dma_start3A_119 : memref<1000000x32xf32, #tpu.memory_space<hbm>>) target(%dma_start3A_113 : memref<128x32xf32, #tpu.memory_space<vmem>>) offsets(%dma_start3A_116 : memref<128xi32, #tpu.memory_space<vmem>>) semaphore(%arg8 : memref<!tpu.dma_semaphore, #tpu.memory_space<semaphore_mem>>)
    %dma_start3A_120 = arith.constant 12 : i32
    %dma_start3A_121 = arith.constant 1536 : i32
    %dma_start3A_122 = arith.constant 0 : i32
    %dma_start3A_123 = tpu.memref_slice %arg6[%dma_start3A_121, %dma_start3A_122] : memref<1664x32xf32, #tpu.memory_space<vmem>> -> memref<128x32xf32, #tpu.memory_space<vmem>>
    %dma_start3A_124 = arith.constant 0 : i32
    %dma_start3A_125 = tpu.memref_slice %arg5[%dma_start3A_120, %dma_start3A_124] : memref<104x128xi32, #tpu.memory_space<vmem>> -> memref<1x128xi32, #tpu.memory_space<vmem>>
    %dma_start3A_126 = tpu.memref_squeeze %dma_start3A_125 : memref<1x128xi32, #tpu.memory_space<vmem>> -> memref<128xi32, #tpu.memory_space<vmem>>
    %dma_start3A_127 = arith.constant 0 : i32
    %dma_start3A_128 = arith.constant 0 : i32
    %dma_start3A_129 = tpu.memref_slice %arg3[%dma_start3A_127, %dma_start3A_128] : memref<1000000x32xf32, #tpu.memory_space<hbm>> -> memref<1000000x32xf32, #tpu.memory_space<hbm>>
    tpu.enqueue_indirect_dma source(%dma_start3A_129 : memref<1000000x32xf32, #tpu.memory_space<hbm>>) target(%dma_start3A_123 : memref<128x32xf32, #tpu.memory_space<vmem>>) offsets(%dma_start3A_126 : memref<128xi32, #tpu.memory_space<vmem>>) semaphore(%arg8 : memref<!tpu.dma_semaphore, #tpu.memory_space<semaphore_mem>>)
    %dma_wait3A = arith.constant 0 : i32
    %dma_wait3A_130 = arith.constant 0 : i32
    %dma_wait3A_131 = arith.constant 0 : i32
    %dma_wait3A_132 = tpu.memref_slice %arg6[%dma_wait3A_130, %dma_wait3A_131] : memref<1664x32xf32, #tpu.memory_space<vmem>> -> memref<128x32xf32, #tpu.memory_space<vmem>>
    %dma_wait3A_133 = arith.constant 0 : i32
    %dma_wait3A_134 = tpu.memref_slice %arg5[%dma_wait3A, %dma_wait3A_133] : memref<104x128xi32, #tpu.memory_space<vmem>> -> memref<1x128xi32, #tpu.memory_space<vmem>>
    %dma_wait3A_135 = tpu.memref_squeeze %dma_wait3A_134 : memref<1x128xi32, #tpu.memory_space<vmem>> -> memref<128xi32, #tpu.memory_space<vmem>>
    %dma_wait3A_136 = arith.constant 0 : i32
    %dma_wait3A_137 = arith.constant 0 : i32
    %dma_wait3A_138 = tpu.memref_slice %arg3[%dma_wait3A_136, %dma_wait3A_137] : memref<1000000x32xf32, #tpu.memory_space<hbm>> -> memref<1000000x32xf32, #tpu.memory_space<hbm>>
    tpu.wait_indirect_dma semaphore(%arg8 : memref<!tpu.dma_semaphore, #tpu.memory_space<semaphore_mem>>) src(%dma_wait3A_138 : memref<1000000x32xf32, #tpu.memory_space<hbm>>) dst(%dma_wait3A_132 : memref<128x32xf32, #tpu.memory_space<vmem>>)
    %dma_wait3A_139 = arith.constant 1 : i32
    %dma_wait3A_140 = arith.constant 128 : i32
    %dma_wait3A_141 = arith.constant 0 : i32
    %dma_wait3A_142 = tpu.memref_slice %arg6[%dma_wait3A_140, %dma_wait3A_141] : memref<1664x32xf32, #tpu.memory_space<vmem>> -> memref<128x32xf32, #tpu.memory_space<vmem>>
    %dma_wait3A_143 = arith.constant 0 : i32
    %dma_wait3A_144 = tpu.memref_slice %arg5[%dma_wait3A_139, %dma_wait3A_143] : memref<104x128xi32, #tpu.memory_space<vmem>> -> memref<1x128xi32, #tpu.memory_space<vmem>>
    %dma_wait3A_145 = tpu.memref_squeeze %dma_wait3A_144 : memref<1x128xi32, #tpu.memory_space<vmem>> -> memref<128xi32, #tpu.memory_space<vmem>>
    %dma_wait3A_146 = arith.constant 0 : i32
    %dma_wait3A_147 = arith.constant 0 : i32
    %dma_wait3A_148 = tpu.memref_slice %arg3[%dma_wait3A_146, %dma_wait3A_147] : memref<1000000x32xf32, #tpu.memory_space<hbm>> -> memref<1000000x32xf32, #tpu.memory_space<hbm>>
    tpu.wait_indirect_dma semaphore(%arg8 : memref<!tpu.dma_semaphore, #tpu.memory_space<semaphore_mem>>) src(%dma_wait3A_148 : memref<1000000x32xf32, #tpu.memory_space<hbm>>) dst(%dma_wait3A_142 : memref<128x32xf32, #tpu.memory_space<vmem>>)
    %dma_wait3A_149 = arith.constant 2 : i32
    %dma_wait3A_150 = arith.constant 256 : i32
    %dma_wait3A_151 = arith.constant 0 : i32
    %dma_wait3A_152 = tpu.memref_slice %arg6[%dma_wait3A_150, %dma_wait3A_151] : memref<1664x32xf32, #tpu.memory_space<vmem>> -> memref<128x32xf32, #tpu.memory_space<vmem>>
    %dma_wait3A_153 = arith.constant 0 : i32
    %dma_wait3A_154 = tpu.memref_slice %arg5[%dma_wait3A_149, %dma_wait3A_153] : memref<104x128xi32, #tpu.memory_space<vmem>> -> memref<1x128xi32, #tpu.memory_space<vmem>>
    %dma_wait3A_155 = tpu.memref_squeeze %dma_wait3A_154 : memref<1x128xi32, #tpu.memory_space<vmem>> -> memref<128xi32, #tpu.memory_space<vmem>>
    %dma_wait3A_156 = arith.constant 0 : i32
    %dma_wait3A_157 = arith.constant 0 : i32
    %dma_wait3A_158 = tpu.memref_slice %arg3[%dma_wait3A_156, %dma_wait3A_157] : memref<1000000x32xf32, #tpu.memory_space<hbm>> -> memref<1000000x32xf32, #tpu.memory_space<hbm>>
    tpu.wait_indirect_dma semaphore(%arg8 : memref<!tpu.dma_semaphore, #tpu.memory_space<semaphore_mem>>) src(%dma_wait3A_158 : memref<1000000x32xf32, #tpu.memory_space<hbm>>) dst(%dma_wait3A_152 : memref<128x32xf32, #tpu.memory_space<vmem>>)
    %dma_wait3A_159 = arith.constant 3 : i32
    %dma_wait3A_160 = arith.constant 384 : i32
    %dma_wait3A_161 = arith.constant 0 : i32
    %dma_wait3A_162 = tpu.memref_slice %arg6[%dma_wait3A_160, %dma_wait3A_161] : memref<1664x32xf32, #tpu.memory_space<vmem>> -> memref<128x32xf32, #tpu.memory_space<vmem>>
    %dma_wait3A_163 = arith.constant 0 : i32
    %dma_wait3A_164 = tpu.memref_slice %arg5[%dma_wait3A_159, %dma_wait3A_163] : memref<104x128xi32, #tpu.memory_space<vmem>> -> memref<1x128xi32, #tpu.memory_space<vmem>>
    %dma_wait3A_165 = tpu.memref_squeeze %dma_wait3A_164 : memref<1x128xi32, #tpu.memory_space<vmem>> -> memref<128xi32, #tpu.memory_space<vmem>>
    %dma_wait3A_166 = arith.constant 0 : i32
    %dma_wait3A_167 = arith.constant 0 : i32
    %dma_wait3A_168 = tpu.memref_slice %arg3[%dma_wait3A_166, %dma_wait3A_167] : memref<1000000x32xf32, #tpu.memory_space<hbm>> -> memref<1000000x32xf32, #tpu.memory_space<hbm>>
    tpu.wait_indirect_dma semaphore(%arg8 : memref<!tpu.dma_semaphore, #tpu.memory_space<semaphore_mem>>) src(%dma_wait3A_168 : memref<1000000x32xf32, #tpu.memory_space<hbm>>) dst(%dma_wait3A_162 : memref<128x32xf32, #tpu.memory_space<vmem>>)
    %dma_wait3A_169 = arith.constant 4 : i32
    %dma_wait3A_170 = arith.constant 512 : i32
    %dma_wait3A_171 = arith.constant 0 : i32
    %dma_wait3A_172 = tpu.memref_slice %arg6[%dma_wait3A_170, %dma_wait3A_171] : memref<1664x32xf32, #tpu.memory_space<vmem>> -> memref<128x32xf32, #tpu.memory_space<vmem>>
    %dma_wait3A_173 = arith.constant 0 : i32
    %dma_wait3A_174 = tpu.memref_slice %arg5[%dma_wait3A_169, %dma_wait3A_173] : memref<104x128xi32, #tpu.memory_space<vmem>> -> memref<1x128xi32, #tpu.memory_space<vmem>>
    %dma_wait3A_175 = tpu.memref_squeeze %dma_wait3A_174 : memref<1x128xi32, #tpu.memory_space<vmem>> -> memref<128xi32, #tpu.memory_space<vmem>>
    %dma_wait3A_176 = arith.constant 0 : i32
    %dma_wait3A_177 = arith.constant 0 : i32
    %dma_wait3A_178 = tpu.memref_slice %arg3[%dma_wait3A_176, %dma_wait3A_177] : memref<1000000x32xf32, #tpu.memory_space<hbm>> -> memref<1000000x32xf32, #tpu.memory_space<hbm>>
    tpu.wait_indirect_dma semaphore(%arg8 : memref<!tpu.dma_semaphore, #tpu.memory_space<semaphore_mem>>) src(%dma_wait3A_178 : memref<1000000x32xf32, #tpu.memory_space<hbm>>) dst(%dma_wait3A_172 : memref<128x32xf32, #tpu.memory_space<vmem>>)
    %dma_wait3A_179 = arith.constant 5 : i32
    %dma_wait3A_180 = arith.constant 640 : i32
    %dma_wait3A_181 = arith.constant 0 : i32
    %dma_wait3A_182 = tpu.memref_slice %arg6[%dma_wait3A_180, %dma_wait3A_181] : memref<1664x32xf32, #tpu.memory_space<vmem>> -> memref<128x32xf32, #tpu.memory_space<vmem>>
    %dma_wait3A_183 = arith.constant 0 : i32
    %dma_wait3A_184 = tpu.memref_slice %arg5[%dma_wait3A_179, %dma_wait3A_183] : memref<104x128xi32, #tpu.memory_space<vmem>> -> memref<1x128xi32, #tpu.memory_space<vmem>>
    %dma_wait3A_185 = tpu.memref_squeeze %dma_wait3A_184 : memref<1x128xi32, #tpu.memory_space<vmem>> -> memref<128xi32, #tpu.memory_space<vmem>>
    %dma_wait3A_186 = arith.constant 0 : i32
    %dma_wait3A_187 = arith.constant 0 : i32
    %dma_wait3A_188 = tpu.memref_slice %arg3[%dma_wait3A_186, %dma_wait3A_187] : memref<1000000x32xf32, #tpu.memory_space<hbm>> -> memref<1000000x32xf32, #tpu.memory_space<hbm>>
    tpu.wait_indirect_dma semaphore(%arg8 : memref<!tpu.dma_semaphore, #tpu.memory_space<semaphore_mem>>) src(%dma_wait3A_188 : memref<1000000x32xf32, #tpu.memory_space<hbm>>) dst(%dma_wait3A_182 : memref<128x32xf32, #tpu.memory_space<vmem>>)
    %dma_wait3A_189 = arith.constant 6 : i32
    %dma_wait3A_190 = arith.constant 768 : i32
    %dma_wait3A_191 = arith.constant 0 : i32
    %dma_wait3A_192 = tpu.memref_slice %arg6[%dma_wait3A_190, %dma_wait3A_191] : memref<1664x32xf32, #tpu.memory_space<vmem>> -> memref<128x32xf32, #tpu.memory_space<vmem>>
    %dma_wait3A_193 = arith.constant 0 : i32
    %dma_wait3A_194 = tpu.memref_slice %arg5[%dma_wait3A_189, %dma_wait3A_193] : memref<104x128xi32, #tpu.memory_space<vmem>> -> memref<1x128xi32, #tpu.memory_space<vmem>>
    %dma_wait3A_195 = tpu.memref_squeeze %dma_wait3A_194 : memref<1x128xi32, #tpu.memory_space<vmem>> -> memref<128xi32, #tpu.memory_space<vmem>>
    %dma_wait3A_196 = arith.constant 0 : i32
    %dma_wait3A_197 = arith.constant 0 : i32
    %dma_wait3A_198 = tpu.memref_slice %arg3[%dma_wait3A_196, %dma_wait3A_197] : memref<1000000x32xf32, #tpu.memory_space<hbm>> -> memref<1000000x32xf32, #tpu.memory_space<hbm>>
    tpu.wait_indirect_dma semaphore(%arg8 : memref<!tpu.dma_semaphore, #tpu.memory_space<semaphore_mem>>) src(%dma_wait3A_198 : memref<1000000x32xf32, #tpu.memory_space<hbm>>) dst(%dma_wait3A_192 : memref<128x32xf32, #tpu.memory_space<vmem>>)
    %dma_wait3A_199 = arith.constant 7 : i32
    %dma_wait3A_200 = arith.constant 896 : i32
    %dma_wait3A_201 = arith.constant 0 : i32
    %dma_wait3A_202 = tpu.memref_slice %arg6[%dma_wait3A_200, %dma_wait3A_201] : memref<1664x32xf32, #tpu.memory_space<vmem>> -> memref<128x32xf32, #tpu.memory_space<vmem>>
    %dma_wait3A_203 = arith.constant 0 : i32
    %dma_wait3A_204 = tpu.memref_slice %arg5[%dma_wait3A_199, %dma_wait3A_203] : memref<104x128xi32, #tpu.memory_space<vmem>> -> memref<1x128xi32, #tpu.memory_space<vmem>>
    %dma_wait3A_205 = tpu.memref_squeeze %dma_wait3A_204 : memref<1x128xi32, #tpu.memory_space<vmem>> -> memref<128xi32, #tpu.memory_space<vmem>>
    %dma_wait3A_206 = arith.constant 0 : i32
    %dma_wait3A_207 = arith.constant 0 : i32
    %dma_wait3A_208 = tpu.memref_slice %arg3[%dma_wait3A_206, %dma_wait3A_207] : memref<1000000x32xf32, #tpu.memory_space<hbm>> -> memref<1000000x32xf32, #tpu.memory_space<hbm>>
    tpu.wait_indirect_dma semaphore(%arg8 : memref<!tpu.dma_semaphore, #tpu.memory_space<semaphore_mem>>) src(%dma_wait3A_208 : memref<1000000x32xf32, #tpu.memory_space<hbm>>) dst(%dma_wait3A_202 : memref<128x32xf32, #tpu.memory_space<vmem>>)
    %dma_wait3A_209 = arith.constant 8 : i32
    %dma_wait3A_210 = arith.constant 1024 : i32
    %dma_wait3A_211 = arith.constant 0 : i32
    %dma_wait3A_212 = tpu.memref_slice %arg6[%dma_wait3A_210, %dma_wait3A_211] : memref<1664x32xf32, #tpu.memory_space<vmem>> -> memref<128x32xf32, #tpu.memory_space<vmem>>
    %dma_wait3A_213 = arith.constant 0 : i32
    %dma_wait3A_214 = tpu.memref_slice %arg5[%dma_wait3A_209, %dma_wait3A_213] : memref<104x128xi32, #tpu.memory_space<vmem>> -> memref<1x128xi32, #tpu.memory_space<vmem>>
    %dma_wait3A_215 = tpu.memref_squeeze %dma_wait3A_214 : memref<1x128xi32, #tpu.memory_space<vmem>> -> memref<128xi32, #tpu.memory_space<vmem>>
    %dma_wait3A_216 = arith.constant 0 : i32
    %dma_wait3A_217 = arith.constant 0 : i32
    %dma_wait3A_218 = tpu.memref_slice %arg3[%dma_wait3A_216, %dma_wait3A_217] : memref<1000000x32xf32, #tpu.memory_space<hbm>> -> memref<1000000x32xf32, #tpu.memory_space<hbm>>
    tpu.wait_indirect_dma semaphore(%arg8 : memref<!tpu.dma_semaphore, #tpu.memory_space<semaphore_mem>>) src(%dma_wait3A_218 : memref<1000000x32xf32, #tpu.memory_space<hbm>>) dst(%dma_wait3A_212 : memref<128x32xf32, #tpu.memory_space<vmem>>)
    %dma_wait3A_219 = arith.constant 9 : i32
    %dma_wait3A_220 = arith.constant 1152 : i32
    %dma_wait3A_221 = arith.constant 0 : i32
    %dma_wait3A_222 = tpu.memref_slice %arg6[%dma_wait3A_220, %dma_wait3A_221] : memref<1664x32xf32, #tpu.memory_space<vmem>> -> memref<128x32xf32, #tpu.memory_space<vmem>>
    %dma_wait3A_223 = arith.constant 0 : i32
    %dma_wait3A_224 = tpu.memref_slice %arg5[%dma_wait3A_219, %dma_wait3A_223] : memref<104x128xi32, #tpu.memory_space<vmem>> -> memref<1x128xi32, #tpu.memory_space<vmem>>
    %dma_wait3A_225 = tpu.memref_squeeze %dma_wait3A_224 : memref<1x128xi32, #tpu.memory_space<vmem>> -> memref<128xi32, #tpu.memory_space<vmem>>
    %dma_wait3A_226 = arith.constant 0 : i32
    %dma_wait3A_227 = arith.constant 0 : i32
    %dma_wait3A_228 = tpu.memref_slice %arg3[%dma_wait3A_226, %dma_wait3A_227] : memref<1000000x32xf32, #tpu.memory_space<hbm>> -> memref<1000000x32xf32, #tpu.memory_space<hbm>>
    tpu.wait_indirect_dma semaphore(%arg8 : memref<!tpu.dma_semaphore, #tpu.memory_space<semaphore_mem>>) src(%dma_wait3A_228 : memref<1000000x32xf32, #tpu.memory_space<hbm>>) dst(%dma_wait3A_222 : memref<128x32xf32, #tpu.memory_space<vmem>>)
    %dma_wait3A_229 = arith.constant 10 : i32
    %dma_wait3A_230 = arith.constant 1280 : i32
    %dma_wait3A_231 = arith.constant 0 : i32
    %dma_wait3A_232 = tpu.memref_slice %arg6[%dma_wait3A_230, %dma_wait3A_231] : memref<1664x32xf32, #tpu.memory_space<vmem>> -> memref<128x32xf32, #tpu.memory_space<vmem>>
    %dma_wait3A_233 = arith.constant 0 : i32
    %dma_wait3A_234 = tpu.memref_slice %arg5[%dma_wait3A_229, %dma_wait3A_233] : memref<104x128xi32, #tpu.memory_space<vmem>> -> memref<1x128xi32, #tpu.memory_space<vmem>>
    %dma_wait3A_235 = tpu.memref_squeeze %dma_wait3A_234 : memref<1x128xi32, #tpu.memory_space<vmem>> -> memref<128xi32, #tpu.memory_space<vmem>>
    %dma_wait3A_236 = arith.constant 0 : i32
    %dma_wait3A_237 = arith.constant 0 : i32
    %dma_wait3A_238 = tpu.memref_slice %arg3[%dma_wait3A_236, %dma_wait3A_237] : memref<1000000x32xf32, #tpu.memory_space<hbm>> -> memref<1000000x32xf32, #tpu.memory_space<hbm>>
    tpu.wait_indirect_dma semaphore(%arg8 : memref<!tpu.dma_semaphore, #tpu.memory_space<semaphore_mem>>) src(%dma_wait3A_238 : memref<1000000x32xf32, #tpu.memory_space<hbm>>) dst(%dma_wait3A_232 : memref<128x32xf32, #tpu.memory_space<vmem>>)
    %dma_wait3A_239 = arith.constant 11 : i32
    %dma_wait3A_240 = arith.constant 1408 : i32
    %dma_wait3A_241 = arith.constant 0 : i32
    %dma_wait3A_242 = tpu.memref_slice %arg6[%dma_wait3A_240, %dma_wait3A_241] : memref<1664x32xf32, #tpu.memory_space<vmem>> -> memref<128x32xf32, #tpu.memory_space<vmem>>
    %dma_wait3A_243 = arith.constant 0 : i32
    %dma_wait3A_244 = tpu.memref_slice %arg5[%dma_wait3A_239, %dma_wait3A_243] : memref<104x128xi32, #tpu.memory_space<vmem>> -> memref<1x128xi32, #tpu.memory_space<vmem>>
    %dma_wait3A_245 = tpu.memref_squeeze %dma_wait3A_244 : memref<1x128xi32, #tpu.memory_space<vmem>> -> memref<128xi32, #tpu.memory_space<vmem>>
    %dma_wait3A_246 = arith.constant 0 : i32
    %dma_wait3A_247 = arith.constant 0 : i32
    %dma_wait3A_248 = tpu.memref_slice %arg3[%dma_wait3A_246, %dma_wait3A_247] : memref<1000000x32xf32, #tpu.memory_space<hbm>> -> memref<1000000x32xf32, #tpu.memory_space<hbm>>
    tpu.wait_indirect_dma semaphore(%arg8 : memref<!tpu.dma_semaphore, #tpu.memory_space<semaphore_mem>>) src(%dma_wait3A_248 : memref<1000000x32xf32, #tpu.memory_space<hbm>>) dst(%dma_wait3A_242 : memref<128x32xf32, #tpu.memory_space<vmem>>)
    %dma_wait3A_249 = arith.constant 12 : i32
    %dma_wait3A_250 = arith.constant 1536 : i32
    %dma_wait3A_251 = arith.constant 0 : i32
    %dma_wait3A_252 = tpu.memref_slice %arg6[%dma_wait3A_250, %dma_wait3A_251] : memref<1664x32xf32, #tpu.memory_space<vmem>> -> memref<128x32xf32, #tpu.memory_space<vmem>>
    %dma_wait3A_253 = arith.constant 0 : i32
    %dma_wait3A_254 = tpu.memref_slice %arg5[%dma_wait3A_249, %dma_wait3A_253] : memref<104x128xi32, #tpu.memory_space<vmem>> -> memref<1x128xi32, #tpu.memory_space<vmem>>
    %dma_wait3A_255 = tpu.memref_squeeze %dma_wait3A_254 : memref<1x128xi32, #tpu.memory_space<vmem>> -> memref<128xi32, #tpu.memory_space<vmem>>
    %dma_wait3A_256 = arith.constant 0 : i32
    %dma_wait3A_257 = arith.constant 0 : i32
    %dma_wait3A_258 = tpu.memref_slice %arg3[%dma_wait3A_256, %dma_wait3A_257] : memref<1000000x32xf32, #tpu.memory_space<hbm>> -> memref<1000000x32xf32, #tpu.memory_space<hbm>>
    tpu.wait_indirect_dma semaphore(%arg8 : memref<!tpu.dma_semaphore, #tpu.memory_space<semaphore_mem>>) src(%dma_wait3A_258 : memref<1000000x32xf32, #tpu.memory_space<hbm>>) dst(%dma_wait3A_252 : memref<128x32xf32, #tpu.memory_space<vmem>>)
    %dma_start3A_259 = arith.constant 0 : i32
    %dma_start3A_260 = arith.constant 0 : i32
    %dma_start3A_261 = tpu.memref_slice %arg4[%add3A, %dma_start3A_259, %dma_start3A_260] : memref<32x13312x32xf32, #tpu.memory_space<hbm>> -> memref<1x1664x32xf32, #tpu.memory_space<hbm>>
    %dma_start3A_262 = tpu.memref_squeeze %dma_start3A_261 : memref<1x1664x32xf32, #tpu.memory_space<hbm>> -> memref<1664x32xf32, #tpu.memory_space<hbm>>
    %dma_start3A_263 = arith.constant 0 : i32
    %dma_start3A_264 = arith.constant 0 : i32
    %dma_start3A_265 = tpu.memref_slice %arg4[%add3A, %dma_start3A_263, %dma_start3A_264] : memref<32x13312x32xf32, #tpu.memory_space<hbm>> -> memref<1x1664x32xf32, #tpu.memory_space<hbm>>
    %dma_start3A_266 = tpu.memref_squeeze %dma_start3A_265 : memref<1x1664x32xf32, #tpu.memory_space<hbm>> -> memref<1664x32xf32, #tpu.memory_space<hbm>>
    tpu.enqueue_dma source(%arg6 : memref<1664x32xf32, #tpu.memory_space<vmem>>) target(%dma_start3A_266 : memref<1664x32xf32, #tpu.memory_space<hbm>>) target_semaphore(%arg10 : memref<!tpu.dma_semaphore, #tpu.memory_space<semaphore_mem>>)
    %dma_start3A_267 = arith.constant 13 : i32
    %dma_start3A_268 = arith.constant 0 : i32
    %dma_start3A_269 = arith.constant 0 : i32
    %dma_start3A_270 = tpu.memref_slice %arg7[%dma_start3A_268, %dma_start3A_269] : memref<1664x32xf32, #tpu.memory_space<vmem>> -> memref<128x32xf32, #tpu.memory_space<vmem>>
    %dma_start3A_271 = arith.constant 0 : i32
    %dma_start3A_272 = tpu.memref_slice %arg5[%dma_start3A_267, %dma_start3A_271] : memref<104x128xi32, #tpu.memory_space<vmem>> -> memref<1x128xi32, #tpu.memory_space<vmem>>
    %dma_start3A_273 = tpu.memref_squeeze %dma_start3A_272 : memref<1x128xi32, #tpu.memory_space<vmem>> -> memref<128xi32, #tpu.memory_space<vmem>>
    %dma_start3A_274 = arith.constant 0 : i32
    %dma_start3A_275 = arith.constant 0 : i32
    %dma_start3A_276 = tpu.memref_slice %arg3[%dma_start3A_274, %dma_start3A_275] : memref<1000000x32xf32, #tpu.memory_space<hbm>> -> memref<1000000x32xf32, #tpu.memory_space<hbm>>
    tpu.enqueue_indirect_dma source(%dma_start3A_276 : memref<1000000x32xf32, #tpu.memory_space<hbm>>) target(%dma_start3A_270 : memref<128x32xf32, #tpu.memory_space<vmem>>) offsets(%dma_start3A_273 : memref<128xi32, #tpu.memory_space<vmem>>) semaphore(%arg9 : memref<!tpu.dma_semaphore, #tpu.memory_space<semaphore_mem>>)
    %dma_start3A_277 = arith.constant 14 : i32
    %dma_start3A_278 = arith.constant 128 : i32
    %dma_start3A_279 = arith.constant 0 : i32
    %dma_start3A_280 = tpu.memref_slice %arg7[%dma_start3A_278, %dma_start3A_279] : memref<1664x32xf32, #tpu.memory_space<vmem>> -> memref<128x32xf32, #tpu.memory_space<vmem>>
    %dma_start3A_281 = arith.constant 0 : i32
    %dma_start3A_282 = tpu.memref_slice %arg5[%dma_start3A_277, %dma_start3A_281] : memref<104x128xi32, #tpu.memory_space<vmem>> -> memref<1x128xi32, #tpu.memory_space<vmem>>
    %dma_start3A_283 = tpu.memref_squeeze %dma_start3A_282 : memref<1x128xi32, #tpu.memory_space<vmem>> -> memref<128xi32, #tpu.memory_space<vmem>>
    %dma_start3A_284 = arith.constant 0 : i32
    %dma_start3A_285 = arith.constant 0 : i32
    %dma_start3A_286 = tpu.memref_slice %arg3[%dma_start3A_284, %dma_start3A_285] : memref<1000000x32xf32, #tpu.memory_space<hbm>> -> memref<1000000x32xf32, #tpu.memory_space<hbm>>
    tpu.enqueue_indirect_dma source(%dma_start3A_286 : memref<1000000x32xf32, #tpu.memory_space<hbm>>) target(%dma_start3A_280 : memref<128x32xf32, #tpu.memory_space<vmem>>) offsets(%dma_start3A_283 : memref<128xi32, #tpu.memory_space<vmem>>) semaphore(%arg9 : memref<!tpu.dma_semaphore, #tpu.memory_space<semaphore_mem>>)
    %dma_start3A_287 = arith.constant 15 : i32
    %dma_start3A_288 = arith.constant 256 : i32
    %dma_start3A_289 = arith.constant 0 : i32
    %dma_start3A_290 = tpu.memref_slice %arg7[%dma_start3A_288, %dma_start3A_289] : memref<1664x32xf32, #tpu.memory_space<vmem>> -> memref<128x32xf32, #tpu.memory_space<vmem>>
    %dma_start3A_291 = arith.constant 0 : i32
    %dma_start3A_292 = tpu.memref_slice %arg5[%dma_start3A_287, %dma_start3A_291] : memref<104x128xi32, #tpu.memory_space<vmem>> -> memref<1x128xi32, #tpu.memory_space<vmem>>
    %dma_start3A_293 = tpu.memref_squeeze %dma_start3A_292 : memref<1x128xi32, #tpu.memory_space<vmem>> -> memref<128xi32, #tpu.memory_space<vmem>>
    %dma_start3A_294 = arith.constant 0 : i32
    %dma_start3A_295 = arith.constant 0 : i32
    %dma_start3A_296 = tpu.memref_slice %arg3[%dma_start3A_294, %dma_start3A_295] : memref<1000000x32xf32, #tpu.memory_space<hbm>> -> memref<1000000x32xf32, #tpu.memory_space<hbm>>
    tpu.enqueue_indirect_dma source(%dma_start3A_296 : memref<1000000x32xf32, #tpu.memory_space<hbm>>) target(%dma_start3A_290 : memref<128x32xf32, #tpu.memory_space<vmem>>) offsets(%dma_start3A_293 : memref<128xi32, #tpu.memory_space<vmem>>) semaphore(%arg9 : memref<!tpu.dma_semaphore, #tpu.memory_space<semaphore_mem>>)
    %dma_start3A_297 = arith.constant 16 : i32
    %dma_start3A_298 = arith.constant 384 : i32
    %dma_start3A_299 = arith.constant 0 : i32
    %dma_start3A_300 = tpu.memref_slice %arg7[%dma_start3A_298, %dma_start3A_299] : memref<1664x32xf32, #tpu.memory_space<vmem>> -> memref<128x32xf32, #tpu.memory_space<vmem>>
    %dma_start3A_301 = arith.constant 0 : i32
    %dma_start3A_302 = tpu.memref_slice %arg5[%dma_start3A_297, %dma_start3A_301] : memref<104x128xi32, #tpu.memory_space<vmem>> -> memref<1x128xi32, #tpu.memory_space<vmem>>
    %dma_start3A_303 = tpu.memref_squeeze %dma_start3A_302 : memref<1x128xi32, #tpu.memory_space<vmem>> -> memref<128xi32, #tpu.memory_space<vmem>>
    %dma_start3A_304 = arith.constant 0 : i32
    %dma_start3A_305 = arith.constant 0 : i32
    %dma_start3A_306 = tpu.memref_slice %arg3[%dma_start3A_304, %dma_start3A_305] : memref<1000000x32xf32, #tpu.memory_space<hbm>> -> memref<1000000x32xf32, #tpu.memory_space<hbm>>
    tpu.enqueue_indirect_dma source(%dma_start3A_306 : memref<1000000x32xf32, #tpu.memory_space<hbm>>) target(%dma_start3A_300 : memref<128x32xf32, #tpu.memory_space<vmem>>) offsets(%dma_start3A_303 : memref<128xi32, #tpu.memory_space<vmem>>) semaphore(%arg9 : memref<!tpu.dma_semaphore, #tpu.memory_space<semaphore_mem>>)
    %dma_start3A_307 = arith.constant 17 : i32
    %dma_start3A_308 = arith.constant 512 : i32
    %dma_start3A_309 = arith.constant 0 : i32
    %dma_start3A_310 = tpu.memref_slice %arg7[%dma_start3A_308, %dma_start3A_309] : memref<1664x32xf32, #tpu.memory_space<vmem>> -> memref<128x32xf32, #tpu.memory_space<vmem>>
    %dma_start3A_311 = arith.constant 0 : i32
    %dma_start3A_312 = tpu.memref_slice %arg5[%dma_start3A_307, %dma_start3A_311] : memref<104x128xi32, #tpu.memory_space<vmem>> -> memref<1x128xi32, #tpu.memory_space<vmem>>
    %dma_start3A_313 = tpu.memref_squeeze %dma_start3A_312 : memref<1x128xi32, #tpu.memory_space<vmem>> -> memref<128xi32, #tpu.memory_space<vmem>>
    %dma_start3A_314 = arith.constant 0 : i32
    %dma_start3A_315 = arith.constant 0 : i32
    %dma_start3A_316 = tpu.memref_slice %arg3[%dma_start3A_314, %dma_start3A_315] : memref<1000000x32xf32, #tpu.memory_space<hbm>> -> memref<1000000x32xf32, #tpu.memory_space<hbm>>
    tpu.enqueue_indirect_dma source(%dma_start3A_316 : memref<1000000x32xf32, #tpu.memory_space<hbm>>) target(%dma_start3A_310 : memref<128x32xf32, #tpu.memory_space<vmem>>) offsets(%dma_start3A_313 : memref<128xi32, #tpu.memory_space<vmem>>) semaphore(%arg9 : memref<!tpu.dma_semaphore, #tpu.memory_space<semaphore_mem>>)
    %dma_start3A_317 = arith.constant 18 : i32
    %dma_start3A_318 = arith.constant 640 : i32
    %dma_start3A_319 = arith.constant 0 : i32
    %dma_start3A_320 = tpu.memref_slice %arg7[%dma_start3A_318, %dma_start3A_319] : memref<1664x32xf32, #tpu.memory_space<vmem>> -> memref<128x32xf32, #tpu.memory_space<vmem>>
    %dma_start3A_321 = arith.constant 0 : i32
    %dma_start3A_322 = tpu.memref_slice %arg5[%dma_start3A_317, %dma_start3A_321] : memref<104x128xi32, #tpu.memory_space<vmem>> -> memref<1x128xi32, #tpu.memory_space<vmem>>
    %dma_start3A_323 = tpu.memref_squeeze %dma_start3A_322 : memref<1x128xi32, #tpu.memory_space<vmem>> -> memref<128xi32, #tpu.memory_space<vmem>>
    %dma_start3A_324 = arith.constant 0 : i32
    %dma_start3A_325 = arith.constant 0 : i32
    %dma_start3A_326 = tpu.memref_slice %arg3[%dma_start3A_324, %dma_start3A_325] : memref<1000000x32xf32, #tpu.memory_space<hbm>> -> memref<1000000x32xf32, #tpu.memory_space<hbm>>
    tpu.enqueue_indirect_dma source(%dma_start3A_326 : memref<1000000x32xf32, #tpu.memory_space<hbm>>) target(%dma_start3A_320 : memref<128x32xf32, #tpu.memory_space<vmem>>) offsets(%dma_start3A_323 : memref<128xi32, #tpu.memory_space<vmem>>) semaphore(%arg9 : memref<!tpu.dma_semaphore, #tpu.memory_space<semaphore_mem>>)
    %dma_start3A_327 = arith.constant 19 : i32
    %dma_start3A_328 = arith.constant 768 : i32
    %dma_start3A_329 = arith.constant 0 : i32
    %dma_start3A_330 = tpu.memref_slice %arg7[%dma_start3A_328, %dma_start3A_329] : memref<1664x32xf32, #tpu.memory_space<vmem>> -> memref<128x32xf32, #tpu.memory_space<vmem>>
    %dma_start3A_331 = arith.constant 0 : i32
    %dma_start3A_332 = tpu.memref_slice %arg5[%dma_start3A_327, %dma_start3A_331] : memref<104x128xi32, #tpu.memory_space<vmem>> -> memref<1x128xi32, #tpu.memory_space<vmem>>
    %dma_start3A_333 = tpu.memref_squeeze %dma_start3A_332 : memref<1x128xi32, #tpu.memory_space<vmem>> -> memref<128xi32, #tpu.memory_space<vmem>>
    %dma_start3A_334 = arith.constant 0 : i32
    %dma_start3A_335 = arith.constant 0 : i32
    %dma_start3A_336 = tpu.memref_slice %arg3[%dma_start3A_334, %dma_start3A_335] : memref<1000000x32xf32, #tpu.memory_space<hbm>> -> memref<1000000x32xf32, #tpu.memory_space<hbm>>
    tpu.enqueue_indirect_dma source(%dma_start3A_336 : memref<1000000x32xf32, #tpu.memory_space<hbm>>) target(%dma_start3A_330 : memref<128x32xf32, #tpu.memory_space<vmem>>) offsets(%dma_start3A_333 : memref<128xi32, #tpu.memory_space<vmem>>) semaphore(%arg9 : memref<!tpu.dma_semaphore, #tpu.memory_space<semaphore_mem>>)
    %dma_start3A_337 = arith.constant 20 : i32
    %dma_start3A_338 = arith.constant 896 : i32
    %dma_start3A_339 = arith.constant 0 : i32
    %dma_start3A_340 = tpu.memref_slice %arg7[%dma_start3A_338, %dma_start3A_339] : memref<1664x32xf32, #tpu.memory_space<vmem>> -> memref<128x32xf32, #tpu.memory_space<vmem>>
    %dma_start3A_341 = arith.constant 0 : i32
    %dma_start3A_342 = tpu.memref_slice %arg5[%dma_start3A_337, %dma_start3A_341] : memref<104x128xi32, #tpu.memory_space<vmem>> -> memref<1x128xi32, #tpu.memory_space<vmem>>
    %dma_start3A_343 = tpu.memref_squeeze %dma_start3A_342 : memref<1x128xi32, #tpu.memory_space<vmem>> -> memref<128xi32, #tpu.memory_space<vmem>>
    %dma_start3A_344 = arith.constant 0 : i32
    %dma_start3A_345 = arith.constant 0 : i32
    %dma_start3A_346 = tpu.memref_slice %arg3[%dma_start3A_344, %dma_start3A_345] : memref<1000000x32xf32, #tpu.memory_space<hbm>> -> memref<1000000x32xf32, #tpu.memory_space<hbm>>
    tpu.enqueue_indirect_dma source(%dma_start3A_346 : memref<1000000x32xf32, #tpu.memory_space<hbm>>) target(%dma_start3A_340 : memref<128x32xf32, #tpu.memory_space<vmem>>) offsets(%dma_start3A_343 : memref<128xi32, #tpu.memory_space<vmem>>) semaphore(%arg9 : memref<!tpu.dma_semaphore, #tpu.memory_space<semaphore_mem>>)
    %dma_start3A_347 = arith.constant 21 : i32
    %dma_start3A_348 = arith.constant 1024 : i32
    %dma_start3A_349 = arith.constant 0 : i32
    %dma_start3A_350 = tpu.memref_slice %arg7[%dma_start3A_348, %dma_start3A_349] : memref<1664x32xf32, #tpu.memory_space<vmem>> -> memref<128x32xf32, #tpu.memory_space<vmem>>
    %dma_start3A_351 = arith.constant 0 : i32
    %dma_start3A_352 = tpu.memref_slice %arg5[%dma_start3A_347, %dma_start3A_351] : memref<104x128xi32, #tpu.memory_space<vmem>> -> memref<1x128xi32, #tpu.memory_space<vmem>>
    %dma_start3A_353 = tpu.memref_squeeze %dma_start3A_352 : memref<1x128xi32, #tpu.memory_space<vmem>> -> memref<128xi32, #tpu.memory_space<vmem>>
    %dma_start3A_354 = arith.constant 0 : i32
    %dma_start3A_355 = arith.constant 0 : i32
    %dma_start3A_356 = tpu.memref_slice %arg3[%dma_start3A_354, %dma_start3A_355] : memref<1000000x32xf32, #tpu.memory_space<hbm>> -> memref<1000000x32xf32, #tpu.memory_space<hbm>>
    tpu.enqueue_indirect_dma source(%dma_start3A_356 : memref<1000000x32xf32, #tpu.memory_space<hbm>>) target(%dma_start3A_350 : memref<128x32xf32, #tpu.memory_space<vmem>>) offsets(%dma_start3A_353 : memref<128xi32, #tpu.memory_space<vmem>>) semaphore(%arg9 : memref<!tpu.dma_semaphore, #tpu.memory_space<semaphore_mem>>)
    %dma_start3A_357 = arith.constant 22 : i32
    %dma_start3A_358 = arith.constant 1152 : i32
    %dma_start3A_359 = arith.constant 0 : i32
    %dma_start3A_360 = tpu.memref_slice %arg7[%dma_start3A_358, %dma_start3A_359] : memref<1664x32xf32, #tpu.memory_space<vmem>> -> memref<128x32xf32, #tpu.memory_space<vmem>>
    %dma_start3A_361 = arith.constant 0 : i32
    %dma_start3A_362 = tpu.memref_slice %arg5[%dma_start3A_357, %dma_start3A_361] : memref<104x128xi32, #tpu.memory_space<vmem>> -> memref<1x128xi32, #tpu.memory_space<vmem>>
    %dma_start3A_363 = tpu.memref_squeeze %dma_start3A_362 : memref<1x128xi32, #tpu.memory_space<vmem>> -> memref<128xi32, #tpu.memory_space<vmem>>
    %dma_start3A_364 = arith.constant 0 : i32
    %dma_start3A_365 = arith.constant 0 : i32
    %dma_start3A_366 = tpu.memref_slice %arg3[%dma_start3A_364, %dma_start3A_365] : memref<1000000x32xf32, #tpu.memory_space<hbm>> -> memref<1000000x32xf32, #tpu.memory_space<hbm>>
    tpu.enqueue_indirect_dma source(%dma_start3A_366 : memref<1000000x32xf32, #tpu.memory_space<hbm>>) target(%dma_start3A_360 : memref<128x32xf32, #tpu.memory_space<vmem>>) offsets(%dma_start3A_363 : memref<128xi32, #tpu.memory_space<vmem>>) semaphore(%arg9 : memref<!tpu.dma_semaphore, #tpu.memory_space<semaphore_mem>>)
    %dma_start3A_367 = arith.constant 23 : i32
    %dma_start3A_368 = arith.constant 1280 : i32
    %dma_start3A_369 = arith.constant 0 : i32
    %dma_start3A_370 = tpu.memref_slice %arg7[%dma_start3A_368, %dma_start3A_369] : memref<1664x32xf32, #tpu.memory_space<vmem>> -> memref<128x32xf32, #tpu.memory_space<vmem>>
    %dma_start3A_371 = arith.constant 0 : i32
    %dma_start3A_372 = tpu.memref_slice %arg5[%dma_start3A_367, %dma_start3A_371] : memref<104x128xi32, #tpu.memory_space<vmem>> -> memref<1x128xi32, #tpu.memory_space<vmem>>
    %dma_start3A_373 = tpu.memref_squeeze %dma_start3A_372 : memref<1x128xi32, #tpu.memory_space<vmem>> -> memref<128xi32, #tpu.memory_space<vmem>>
    %dma_start3A_374 = arith.constant 0 : i32
    %dma_start3A_375 = arith.constant 0 : i32
    %dma_start3A_376 = tpu.memref_slice %arg3[%dma_start3A_374, %dma_start3A_375] : memref<1000000x32xf32, #tpu.memory_space<hbm>> -> memref<1000000x32xf32, #tpu.memory_space<hbm>>
    tpu.enqueue_indirect_dma source(%dma_start3A_376 : memref<1000000x32xf32, #tpu.memory_space<hbm>>) target(%dma_start3A_370 : memref<128x32xf32, #tpu.memory_space<vmem>>) offsets(%dma_start3A_373 : memref<128xi32, #tpu.memory_space<vmem>>) semaphore(%arg9 : memref<!tpu.dma_semaphore, #tpu.memory_space<semaphore_mem>>)
    %dma_start3A_377 = arith.constant 24 : i32
    %dma_start3A_378 = arith.constant 1408 : i32
    %dma_start3A_379 = arith.constant 0 : i32
    %dma_start3A_380 = tpu.memref_slice %arg7[%dma_start3A_378, %dma_start3A_379] : memref<1664x32xf32, #tpu.memory_space<vmem>> -> memref<128x32xf32, #tpu.memory_space<vmem>>
    %dma_start3A_381 = arith.constant 0 : i32
    %dma_start3A_382 = tpu.memref_slice %arg5[%dma_start3A_377, %dma_start3A_381] : memref<104x128xi32, #tpu.memory_space<vmem>> -> memref<1x128xi32, #tpu.memory_space<vmem>>
    %dma_start3A_383 = tpu.memref_squeeze %dma_start3A_382 : memref<1x128xi32, #tpu.memory_space<vmem>> -> memref<128xi32, #tpu.memory_space<vmem>>
    %dma_start3A_384 = arith.constant 0 : i32
    %dma_start3A_385 = arith.constant 0 : i32
    %dma_start3A_386 = tpu.memref_slice %arg3[%dma_start3A_384, %dma_start3A_385] : memref<1000000x32xf32, #tpu.memory_space<hbm>> -> memref<1000000x32xf32, #tpu.memory_space<hbm>>
    tpu.enqueue_indirect_dma source(%dma_start3A_386 : memref<1000000x32xf32, #tpu.memory_space<hbm>>) target(%dma_start3A_380 : memref<128x32xf32, #tpu.memory_space<vmem>>) offsets(%dma_start3A_383 : memref<128xi32, #tpu.memory_space<vmem>>) semaphore(%arg9 : memref<!tpu.dma_semaphore, #tpu.memory_space<semaphore_mem>>)
    %dma_start3A_387 = arith.constant 25 : i32
    %dma_start3A_388 = arith.constant 1536 : i32
    %dma_start3A_389 = arith.constant 0 : i32
    %dma_start3A_390 = tpu.memref_slice %arg7[%dma_start3A_388, %dma_start3A_389] : memref<1664x32xf32, #tpu.memory_space<vmem>> -> memref<128x32xf32, #tpu.memory_space<vmem>>
    %dma_start3A_391 = arith.constant 0 : i32
    %dma_start3A_392 = tpu.memref_slice %arg5[%dma_start3A_387, %dma_start3A_391] : memref<104x128xi32, #tpu.memory_space<vmem>> -> memref<1x128xi32, #tpu.memory_space<vmem>>
    %dma_start3A_393 = tpu.memref_squeeze %dma_start3A_392 : memref<1x128xi32, #tpu.memory_space<vmem>> -> memref<128xi32, #tpu.memory_space<vmem>>
    %dma_start3A_394 = arith.constant 0 : i32
    %dma_start3A_395 = arith.constant 0 : i32
    %dma_start3A_396 = tpu.memref_slice %arg3[%dma_start3A_394, %dma_start3A_395] : memref<1000000x32xf32, #tpu.memory_space<hbm>> -> memref<1000000x32xf32, #tpu.memory_space<hbm>>
    tpu.enqueue_indirect_dma source(%dma_start3A_396 : memref<1000000x32xf32, #tpu.memory_space<hbm>>) target(%dma_start3A_390 : memref<128x32xf32, #tpu.memory_space<vmem>>) offsets(%dma_start3A_393 : memref<128xi32, #tpu.memory_space<vmem>>) semaphore(%arg9 : memref<!tpu.dma_semaphore, #tpu.memory_space<semaphore_mem>>)
    %dma_wait3A_397 = arith.constant 13 : i32
    %dma_wait3A_398 = arith.constant 0 : i32
    %dma_wait3A_399 = arith.constant 0 : i32
    %dma_wait3A_400 = tpu.memref_slice %arg7[%dma_wait3A_398, %dma_wait3A_399] : memref<1664x32xf32, #tpu.memory_space<vmem>> -> memref<128x32xf32, #tpu.memory_space<vmem>>
    %dma_wait3A_401 = arith.constant 0 : i32
    %dma_wait3A_402 = tpu.memref_slice %arg5[%dma_wait3A_397, %dma_wait3A_401] : memref<104x128xi32, #tpu.memory_space<vmem>> -> memref<1x128xi32, #tpu.memory_space<vmem>>
    %dma_wait3A_403 = tpu.memref_squeeze %dma_wait3A_402 : memref<1x128xi32, #tpu.memory_space<vmem>> -> memref<128xi32, #tpu.memory_space<vmem>>
    %dma_wait3A_404 = arith.constant 0 : i32
    %dma_wait3A_405 = arith.constant 0 : i32
    %dma_wait3A_406 = tpu.memref_slice %arg3[%dma_wait3A_404, %dma_wait3A_405] : memref<1000000x32xf32, #tpu.memory_space<hbm>> -> memref<1000000x32xf32, #tpu.memory_space<hbm>>
    tpu.wait_indirect_dma semaphore(%arg9 : memref<!tpu.dma_semaphore, #tpu.memory_space<semaphore_mem>>) src(%dma_wait3A_406 : memref<1000000x32xf32, #tpu.memory_space<hbm>>) dst(%dma_wait3A_400 : memref<128x32xf32, #tpu.memory_space<vmem>>)
    %dma_wait3A_407 = arith.constant 14 : i32
    %dma_wait3A_408 = arith.constant 128 : i32
    %dma_wait3A_409 = arith.constant 0 : i32
    %dma_wait3A_410 = tpu.memref_slice %arg7[%dma_wait3A_408, %dma_wait3A_409] : memref<1664x32xf32, #tpu.memory_space<vmem>> -> memref<128x32xf32, #tpu.memory_space<vmem>>
    %dma_wait3A_411 = arith.constant 0 : i32
    %dma_wait3A_412 = tpu.memref_slice %arg5[%dma_wait3A_407, %dma_wait3A_411] : memref<104x128xi32, #tpu.memory_space<vmem>> -> memref<1x128xi32, #tpu.memory_space<vmem>>
    %dma_wait3A_413 = tpu.memref_squeeze %dma_wait3A_412 : memref<1x128xi32, #tpu.memory_space<vmem>> -> memref<128xi32, #tpu.memory_space<vmem>>
    %dma_wait3A_414 = arith.constant 0 : i32
    %dma_wait3A_415 = arith.constant 0 : i32
    %dma_wait3A_416 = tpu.memref_slice %arg3[%dma_wait3A_414, %dma_wait3A_415] : memref<1000000x32xf32, #tpu.memory_space<hbm>> -> memref<1000000x32xf32, #tpu.memory_space<hbm>>
    tpu.wait_indirect_dma semaphore(%arg9 : memref<!tpu.dma_semaphore, #tpu.memory_space<semaphore_mem>>) src(%dma_wait3A_416 : memref<1000000x32xf32, #tpu.memory_space<hbm>>) dst(%dma_wait3A_410 : memref<128x32xf32, #tpu.memory_space<vmem>>)
    %dma_wait3A_417 = arith.constant 15 : i32
    %dma_wait3A_418 = arith.constant 256 : i32
    %dma_wait3A_419 = arith.constant 0 : i32
    %dma_wait3A_420 = tpu.memref_slice %arg7[%dma_wait3A_418, %dma_wait3A_419] : memref<1664x32xf32, #tpu.memory_space<vmem>> -> memref<128x32xf32, #tpu.memory_space<vmem>>
    %dma_wait3A_421 = arith.constant 0 : i32
    %dma_wait3A_422 = tpu.memref_slice %arg5[%dma_wait3A_417, %dma_wait3A_421] : memref<104x128xi32, #tpu.memory_space<vmem>> -> memref<1x128xi32, #tpu.memory_space<vmem>>
    %dma_wait3A_423 = tpu.memref_squeeze %dma_wait3A_422 : memref<1x128xi32, #tpu.memory_space<vmem>> -> memref<128xi32, #tpu.memory_space<vmem>>
    %dma_wait3A_424 = arith.constant 0 : i32
    %dma_wait3A_425 = arith.constant 0 : i32
    %dma_wait3A_426 = tpu.memref_slice %arg3[%dma_wait3A_424, %dma_wait3A_425] : memref<1000000x32xf32, #tpu.memory_space<hbm>> -> memref<1000000x32xf32, #tpu.memory_space<hbm>>
    tpu.wait_indirect_dma semaphore(%arg9 : memref<!tpu.dma_semaphore, #tpu.memory_space<semaphore_mem>>) src(%dma_wait3A_426 : memref<1000000x32xf32, #tpu.memory_space<hbm>>) dst(%dma_wait3A_420 : memref<128x32xf32, #tpu.memory_space<vmem>>)
    %dma_wait3A_427 = arith.constant 16 : i32
    %dma_wait3A_428 = arith.constant 384 : i32
    %dma_wait3A_429 = arith.constant 0 : i32
    %dma_wait3A_430 = tpu.memref_slice %arg7[%dma_wait3A_428, %dma_wait3A_429] : memref<1664x32xf32, #tpu.memory_space<vmem>> -> memref<128x32xf32, #tpu.memory_space<vmem>>
    %dma_wait3A_431 = arith.constant 0 : i32
    %dma_wait3A_432 = tpu.memref_slice %arg5[%dma_wait3A_427, %dma_wait3A_431] : memref<104x128xi32, #tpu.memory_space<vmem>> -> memref<1x128xi32, #tpu.memory_space<vmem>>
    %dma_wait3A_433 = tpu.memref_squeeze %dma_wait3A_432 : memref<1x128xi32, #tpu.memory_space<vmem>> -> memref<128xi32, #tpu.memory_space<vmem>>
    %dma_wait3A_434 = arith.constant 0 : i32
    %dma_wait3A_435 = arith.constant 0 : i32
    %dma_wait3A_436 = tpu.memref_slice %arg3[%dma_wait3A_434, %dma_wait3A_435] : memref<1000000x32xf32, #tpu.memory_space<hbm>> -> memref<1000000x32xf32, #tpu.memory_space<hbm>>
    tpu.wait_indirect_dma semaphore(%arg9 : memref<!tpu.dma_semaphore, #tpu.memory_space<semaphore_mem>>) src(%dma_wait3A_436 : memref<1000000x32xf32, #tpu.memory_space<hbm>>) dst(%dma_wait3A_430 : memref<128x32xf32, #tpu.memory_space<vmem>>)
    %dma_wait3A_437 = arith.constant 17 : i32
    %dma_wait3A_438 = arith.constant 512 : i32
    %dma_wait3A_439 = arith.constant 0 : i32
    %dma_wait3A_440 = tpu.memref_slice %arg7[%dma_wait3A_438, %dma_wait3A_439] : memref<1664x32xf32, #tpu.memory_space<vmem>> -> memref<128x32xf32, #tpu.memory_space<vmem>>
    %dma_wait3A_441 = arith.constant 0 : i32
    %dma_wait3A_442 = tpu.memref_slice %arg5[%dma_wait3A_437, %dma_wait3A_441] : memref<104x128xi32, #tpu.memory_space<vmem>> -> memref<1x128xi32, #tpu.memory_space<vmem>>
    %dma_wait3A_443 = tpu.memref_squeeze %dma_wait3A_442 : memref<1x128xi32, #tpu.memory_space<vmem>> -> memref<128xi32, #tpu.memory_space<vmem>>
    %dma_wait3A_444 = arith.constant 0 : i32
    %dma_wait3A_445 = arith.constant 0 : i32
    %dma_wait3A_446 = tpu.memref_slice %arg3[%dma_wait3A_444, %dma_wait3A_445] : memref<1000000x32xf32, #tpu.memory_space<hbm>> -> memref<1000000x32xf32, #tpu.memory_space<hbm>>
    tpu.wait_indirect_dma semaphore(%arg9 : memref<!tpu.dma_semaphore, #tpu.memory_space<semaphore_mem>>) src(%dma_wait3A_446 : memref<1000000x32xf32, #tpu.memory_space<hbm>>) dst(%dma_wait3A_440 : memref<128x32xf32, #tpu.memory_space<vmem>>)
    %dma_wait3A_447 = arith.constant 18 : i32
    %dma_wait3A_448 = arith.constant 640 : i32
    %dma_wait3A_449 = arith.constant 0 : i32
    %dma_wait3A_450 = tpu.memref_slice %arg7[%dma_wait3A_448, %dma_wait3A_449] : memref<1664x32xf32, #tpu.memory_space<vmem>> -> memref<128x32xf32, #tpu.memory_space<vmem>>
    %dma_wait3A_451 = arith.constant 0 : i32
    %dma_wait3A_452 = tpu.memref_slice %arg5[%dma_wait3A_447, %dma_wait3A_451] : memref<104x128xi32, #tpu.memory_space<vmem>> -> memref<1x128xi32, #tpu.memory_space<vmem>>
    %dma_wait3A_453 = tpu.memref_squeeze %dma_wait3A_452 : memref<1x128xi32, #tpu.memory_space<vmem>> -> memref<128xi32, #tpu.memory_space<vmem>>
    %dma_wait3A_454 = arith.constant 0 : i32
    %dma_wait3A_455 = arith.constant 0 : i32
    %dma_wait3A_456 = tpu.memref_slice %arg3[%dma_wait3A_454, %dma_wait3A_455] : memref<1000000x32xf32, #tpu.memory_space<hbm>> -> memref<1000000x32xf32, #tpu.memory_space<hbm>>
    tpu.wait_indirect_dma semaphore(%arg9 : memref<!tpu.dma_semaphore, #tpu.memory_space<semaphore_mem>>) src(%dma_wait3A_456 : memref<1000000x32xf32, #tpu.memory_space<hbm>>) dst(%dma_wait3A_450 : memref<128x32xf32, #tpu.memory_space<vmem>>)
    %dma_wait3A_457 = arith.constant 19 : i32
    %dma_wait3A_458 = arith.constant 768 : i32
    %dma_wait3A_459 = arith.constant 0 : i32
    %dma_wait3A_460 = tpu.memref_slice %arg7[%dma_wait3A_458, %dma_wait3A_459] : memref<1664x32xf32, #tpu.memory_space<vmem>> -> memref<128x32xf32, #tpu.memory_space<vmem>>
    %dma_wait3A_461 = arith.constant 0 : i32
    %dma_wait3A_462 = tpu.memref_slice %arg5[%dma_wait3A_457, %dma_wait3A_461] : memref<104x128xi32, #tpu.memory_space<vmem>> -> memref<1x128xi32, #tpu.memory_space<vmem>>
    %dma_wait3A_463 = tpu.memref_squeeze %dma_wait3A_462 : memref<1x128xi32, #tpu.memory_space<vmem>> -> memref<128xi32, #tpu.memory_space<vmem>>
    %dma_wait3A_464 = arith.constant 0 : i32
    %dma_wait3A_465 = arith.constant 0 : i32
    %dma_wait3A_466 = tpu.memref_slice %arg3[%dma_wait3A_464, %dma_wait3A_465] : memref<1000000x32xf32, #tpu.memory_space<hbm>> -> memref<1000000x32xf32, #tpu.memory_space<hbm>>
    tpu.wait_indirect_dma semaphore(%arg9 : memref<!tpu.dma_semaphore, #tpu.memory_space<semaphore_mem>>) src(%dma_wait3A_466 : memref<1000000x32xf32, #tpu.memory_space<hbm>>) dst(%dma_wait3A_460 : memref<128x32xf32, #tpu.memory_space<vmem>>)
    %dma_wait3A_467 = arith.constant 20 : i32
    %dma_wait3A_468 = arith.constant 896 : i32
    %dma_wait3A_469 = arith.constant 0 : i32
    %dma_wait3A_470 = tpu.memref_slice %arg7[%dma_wait3A_468, %dma_wait3A_469] : memref<1664x32xf32, #tpu.memory_space<vmem>> -> memref<128x32xf32, #tpu.memory_space<vmem>>
    %dma_wait3A_471 = arith.constant 0 : i32
    %dma_wait3A_472 = tpu.memref_slice %arg5[%dma_wait3A_467, %dma_wait3A_471] : memref<104x128xi32, #tpu.memory_space<vmem>> -> memref<1x128xi32, #tpu.memory_space<vmem>>
    %dma_wait3A_473 = tpu.memref_squeeze %dma_wait3A_472 : memref<1x128xi32, #tpu.memory_space<vmem>> -> memref<128xi32, #tpu.memory_space<vmem>>
    %dma_wait3A_474 = arith.constant 0 : i32
    %dma_wait3A_475 = arith.constant 0 : i32
    %dma_wait3A_476 = tpu.memref_slice %arg3[%dma_wait3A_474, %dma_wait3A_475] : memref<1000000x32xf32, #tpu.memory_space<hbm>> -> memref<1000000x32xf32, #tpu.memory_space<hbm>>
    tpu.wait_indirect_dma semaphore(%arg9 : memref<!tpu.dma_semaphore, #tpu.memory_space<semaphore_mem>>) src(%dma_wait3A_476 : memref<1000000x32xf32, #tpu.memory_space<hbm>>) dst(%dma_wait3A_470 : memref<128x32xf32, #tpu.memory_space<vmem>>)
    %dma_wait3A_477 = arith.constant 21 : i32
    %dma_wait3A_478 = arith.constant 1024 : i32
    %dma_wait3A_479 = arith.constant 0 : i32
    %dma_wait3A_480 = tpu.memref_slice %arg7[%dma_wait3A_478, %dma_wait3A_479] : memref<1664x32xf32, #tpu.memory_space<vmem>> -> memref<128x32xf32, #tpu.memory_space<vmem>>
    %dma_wait3A_481 = arith.constant 0 : i32
    %dma_wait3A_482 = tpu.memref_slice %arg5[%dma_wait3A_477, %dma_wait3A_481] : memref<104x128xi32, #tpu.memory_space<vmem>> -> memref<1x128xi32, #tpu.memory_space<vmem>>
    %dma_wait3A_483 = tpu.memref_squeeze %dma_wait3A_482 : memref<1x128xi32, #tpu.memory_space<vmem>> -> memref<128xi32, #tpu.memory_space<vmem>>
    %dma_wait3A_484 = arith.constant 0 : i32
    %dma_wait3A_485 = arith.constant 0 : i32
    %dma_wait3A_486 = tpu.memref_slice %arg3[%dma_wait3A_484, %dma_wait3A_485] : memref<1000000x32xf32, #tpu.memory_space<hbm>> -> memref<1000000x32xf32, #tpu.memory_space<hbm>>
    tpu.wait_indirect_dma semaphore(%arg9 : memref<!tpu.dma_semaphore, #tpu.memory_space<semaphore_mem>>) src(%dma_wait3A_486 : memref<1000000x32xf32, #tpu.memory_space<hbm>>) dst(%dma_wait3A_480 : memref<128x32xf32, #tpu.memory_space<vmem>>)
    %dma_wait3A_487 = arith.constant 22 : i32
    %dma_wait3A_488 = arith.constant 1152 : i32
    %dma_wait3A_489 = arith.constant 0 : i32
    %dma_wait3A_490 = tpu.memref_slice %arg7[%dma_wait3A_488, %dma_wait3A_489] : memref<1664x32xf32, #tpu.memory_space<vmem>> -> memref<128x32xf32, #tpu.memory_space<vmem>>
    %dma_wait3A_491 = arith.constant 0 : i32
    %dma_wait3A_492 = tpu.memref_slice %arg5[%dma_wait3A_487, %dma_wait3A_491] : memref<104x128xi32, #tpu.memory_space<vmem>> -> memref<1x128xi32, #tpu.memory_space<vmem>>
    %dma_wait3A_493 = tpu.memref_squeeze %dma_wait3A_492 : memref<1x128xi32, #tpu.memory_space<vmem>> -> memref<128xi32, #tpu.memory_space<vmem>>
    %dma_wait3A_494 = arith.constant 0 : i32
    %dma_wait3A_495 = arith.constant 0 : i32
    %dma_wait3A_496 = tpu.memref_slice %arg3[%dma_wait3A_494, %dma_wait3A_495] : memref<1000000x32xf32, #tpu.memory_space<hbm>> -> memref<1000000x32xf32, #tpu.memory_space<hbm>>
    tpu.wait_indirect_dma semaphore(%arg9 : memref<!tpu.dma_semaphore, #tpu.memory_space<semaphore_mem>>) src(%dma_wait3A_496 : memref<1000000x32xf32, #tpu.memory_space<hbm>>) dst(%dma_wait3A_490 : memref<128x32xf32, #tpu.memory_space<vmem>>)
    %dma_wait3A_497 = arith.constant 23 : i32
    %dma_wait3A_498 = arith.constant 1280 : i32
    %dma_wait3A_499 = arith.constant 0 : i32
    %dma_wait3A_500 = tpu.memref_slice %arg7[%dma_wait3A_498, %dma_wait3A_499] : memref<1664x32xf32, #tpu.memory_space<vmem>> -> memref<128x32xf32, #tpu.memory_space<vmem>>
    %dma_wait3A_501 = arith.constant 0 : i32
    %dma_wait3A_502 = tpu.memref_slice %arg5[%dma_wait3A_497, %dma_wait3A_501] : memref<104x128xi32, #tpu.memory_space<vmem>> -> memref<1x128xi32, #tpu.memory_space<vmem>>
    %dma_wait3A_503 = tpu.memref_squeeze %dma_wait3A_502 : memref<1x128xi32, #tpu.memory_space<vmem>> -> memref<128xi32, #tpu.memory_space<vmem>>
    %dma_wait3A_504 = arith.constant 0 : i32
    %dma_wait3A_505 = arith.constant 0 : i32
    %dma_wait3A_506 = tpu.memref_slice %arg3[%dma_wait3A_504, %dma_wait3A_505] : memref<1000000x32xf32, #tpu.memory_space<hbm>> -> memref<1000000x32xf32, #tpu.memory_space<hbm>>
    tpu.wait_indirect_dma semaphore(%arg9 : memref<!tpu.dma_semaphore, #tpu.memory_space<semaphore_mem>>) src(%dma_wait3A_506 : memref<1000000x32xf32, #tpu.memory_space<hbm>>) dst(%dma_wait3A_500 : memref<128x32xf32, #tpu.memory_space<vmem>>)
    %dma_wait3A_507 = arith.constant 24 : i32
    %dma_wait3A_508 = arith.constant 1408 : i32
    %dma_wait3A_509 = arith.constant 0 : i32
    %dma_wait3A_510 = tpu.memref_slice %arg7[%dma_wait3A_508, %dma_wait3A_509] : memref<1664x32xf32, #tpu.memory_space<vmem>> -> memref<128x32xf32, #tpu.memory_space<vmem>>
    %dma_wait3A_511 = arith.constant 0 : i32
    %dma_wait3A_512 = tpu.memref_slice %arg5[%dma_wait3A_507, %dma_wait3A_511] : memref<104x128xi32, #tpu.memory_space<vmem>> -> memref<1x128xi32, #tpu.memory_space<vmem>>
    %dma_wait3A_513 = tpu.memref_squeeze %dma_wait3A_512 : memref<1x128xi32, #tpu.memory_space<vmem>> -> memref<128xi32, #tpu.memory_space<vmem>>
    %dma_wait3A_514 = arith.constant 0 : i32
    %dma_wait3A_515 = arith.constant 0 : i32
    %dma_wait3A_516 = tpu.memref_slice %arg3[%dma_wait3A_514, %dma_wait3A_515] : memref<1000000x32xf32, #tpu.memory_space<hbm>> -> memref<1000000x32xf32, #tpu.memory_space<hbm>>
    tpu.wait_indirect_dma semaphore(%arg9 : memref<!tpu.dma_semaphore, #tpu.memory_space<semaphore_mem>>) src(%dma_wait3A_516 : memref<1000000x32xf32, #tpu.memory_space<hbm>>) dst(%dma_wait3A_510 : memref<128x32xf32, #tpu.memory_space<vmem>>)
    %dma_wait3A_517 = arith.constant 25 : i32
    %dma_wait3A_518 = arith.constant 1536 : i32
    %dma_wait3A_519 = arith.constant 0 : i32
    %dma_wait3A_520 = tpu.memref_slice %arg7[%dma_wait3A_518, %dma_wait3A_519] : memref<1664x32xf32, #tpu.memory_space<vmem>> -> memref<128x32xf32, #tpu.memory_space<vmem>>
    %dma_wait3A_521 = arith.constant 0 : i32
    %dma_wait3A_522 = tpu.memref_slice %arg5[%dma_wait3A_517, %dma_wait3A_521] : memref<104x128xi32, #tpu.memory_space<vmem>> -> memref<1x128xi32, #tpu.memory_space<vmem>>
    %dma_wait3A_523 = tpu.memref_squeeze %dma_wait3A_522 : memref<1x128xi32, #tpu.memory_space<vmem>> -> memref<128xi32, #tpu.memory_space<vmem>>
    %dma_wait3A_524 = arith.constant 0 : i32
    %dma_wait3A_525 = arith.constant 0 : i32
    %dma_wait3A_526 = tpu.memref_slice %arg3[%dma_wait3A_524, %dma_wait3A_525] : memref<1000000x32xf32, #tpu.memory_space<hbm>> -> memref<1000000x32xf32, #tpu.memory_space<hbm>>
    tpu.wait_indirect_dma semaphore(%arg9 : memref<!tpu.dma_semaphore, #tpu.memory_space<semaphore_mem>>) src(%dma_wait3A_526 : memref<1000000x32xf32, #tpu.memory_space<hbm>>) dst(%dma_wait3A_520 : memref<128x32xf32, #tpu.memory_space<vmem>>)
    %dma_start3A_527 = arith.constant 1664 : i32
    %dma_start3A_528 = arith.constant 0 : i32
    %dma_start3A_529 = tpu.memref_slice %arg4[%add3A, %dma_start3A_527, %dma_start3A_528] : memref<32x13312x32xf32, #tpu.memory_space<hbm>> -> memref<1x1664x32xf32, #tpu.memory_space<hbm>>
    %dma_start3A_530 = tpu.memref_squeeze %dma_start3A_529 : memref<1x1664x32xf32, #tpu.memory_space<hbm>> -> memref<1664x32xf32, #tpu.memory_space<hbm>>
    %dma_start3A_531 = arith.constant 1664 : i32
    %dma_start3A_532 = arith.constant 0 : i32
    %dma_start3A_533 = tpu.memref_slice %arg4[%add3A, %dma_start3A_531, %dma_start3A_532] : memref<32x13312x32xf32, #tpu.memory_space<hbm>> -> memref<1x1664x32xf32, #tpu.memory_space<hbm>>
    %dma_start3A_534 = tpu.memref_squeeze %dma_start3A_533 : memref<1x1664x32xf32, #tpu.memory_space<hbm>> -> memref<1664x32xf32, #tpu.memory_space<hbm>>
    tpu.enqueue_dma source(%arg7 : memref<1664x32xf32, #tpu.memory_space<vmem>>) target(%dma_start3A_534 : memref<1664x32xf32, #tpu.memory_space<hbm>>) target_semaphore(%arg11 : memref<!tpu.dma_semaphore, #tpu.memory_space<semaphore_mem>>)
    %scan3A = arith.constant 0 : i32
    %scan3A_535 = arith.constant 3 : i32
    %scan3A_536 = arith.addi %scan3A, %scan3A_535 : i32
    %scan3A_537 = arith.constant 1 : i32
    scf.for %scan3A_555 = %scan3A to %scan3A_536 step %scan3A_537  : i32 {
      %mul3A_556 = arith.constant 2 : i32
      %mul3A_557 = arith.muli %scan3A_555, %mul3A_556 : i32
      %add3A_558 = arith.constant 0 : i32
      %add3A_559 = arith.addi %add3A_558, %mul3A_557 : i32
      %add3A_560 = arith.constant 2 : i32
      %add3A_561 = arith.addi %add3A_559, %add3A_560 : i32
      %dma_wait3A_562 = arith.constant 0 : i32
      %dma_wait3A_563 = arith.constant 0 : i32
      %dma_wait3A_564 = tpu.memref_slice %arg4[%add3A, %dma_wait3A_562, %dma_wait3A_563] : memref<32x13312x32xf32, #tpu.memory_space<hbm>> -> memref<1x1664x32xf32, #tpu.memory_space<hbm>>
      %dma_wait3A_565 = tpu.memref_squeeze %dma_wait3A_564 : memref<1x1664x32xf32, #tpu.memory_space<hbm>> -> memref<1664x32xf32, #tpu.memory_space<hbm>>
      %dma_wait3A_566 = arith.constant 0 : i32
      %dma_wait3A_567 = arith.constant 0 : i32
      %dma_wait3A_568 = tpu.memref_slice %arg4[%add3A, %dma_wait3A_566, %dma_wait3A_567] : memref<32x13312x32xf32, #tpu.memory_space<hbm>> -> memref<1x1664x32xf32, #tpu.memory_space<hbm>>
      %dma_wait3A_569 = tpu.memref_squeeze %dma_wait3A_568 : memref<1x1664x32xf32, #tpu.memory_space<hbm>> -> memref<1664x32xf32, #tpu.memory_space<hbm>>
      tpu.wait_dma2 semaphore(%arg10 : memref<!tpu.dma_semaphore, #tpu.memory_space<semaphore_mem>>) src(%arg6 : memref<1664x32xf32, #tpu.memory_space<vmem>>) dst(%dma_wait3A_569 : memref<1664x32xf32, #tpu.memory_space<hbm>>)
      %mul3A_570 = arith.constant 13 : i32
      %mul3A_571 = arith.muli %add3A_561, %mul3A_570 : i32
      %add3A_572 = arith.constant 0 : i32
      %add3A_573 = arith.addi %mul3A_571, %add3A_572 : i32
      %dma_start3A_574 = arith.constant 0 : i32
      %dma_start3A_575 = arith.constant 0 : i32
      %dma_start3A_576 = tpu.memref_slice %arg6[%dma_start3A_574, %dma_start3A_575] : memref<1664x32xf32, #tpu.memory_space<vmem>> -> memref<128x32xf32, #tpu.memory_space<vmem>>
      %dma_start3A_577 = arith.constant 0 : i32
      %dma_start3A_578 = tpu.memref_slice %arg5[%add3A_573, %dma_start3A_577] : memref<104x128xi32, #tpu.memory_space<vmem>> -> memref<1x128xi32, #tpu.memory_space<vmem>>
      %dma_start3A_579 = tpu.memref_squeeze %dma_start3A_578 : memref<1x128xi32, #tpu.memory_space<vmem>> -> memref<128xi32, #tpu.memory_space<vmem>>
      %dma_start3A_580 = arith.constant 0 : i32
      %dma_start3A_581 = arith.constant 0 : i32
      %dma_start3A_582 = tpu.memref_slice %arg3[%dma_start3A_580, %dma_start3A_581] : memref<1000000x32xf32, #tpu.memory_space<hbm>> -> memref<1000000x32xf32, #tpu.memory_space<hbm>>
      tpu.enqueue_indirect_dma source(%dma_start3A_582 : memref<1000000x32xf32, #tpu.memory_space<hbm>>) target(%dma_start3A_576 : memref<128x32xf32, #tpu.memory_space<vmem>>) offsets(%dma_start3A_579 : memref<128xi32, #tpu.memory_space<vmem>>) semaphore(%arg8 : memref<!tpu.dma_semaphore, #tpu.memory_space<semaphore_mem>>)
      %mul3A_583 = arith.constant 13 : i32
      %mul3A_584 = arith.muli %add3A_561, %mul3A_583 : i32
      %add3A_585 = arith.constant 1 : i32
      %add3A_586 = arith.addi %mul3A_584, %add3A_585 : i32
      %dma_start3A_587 = arith.constant 128 : i32
      %dma_start3A_588 = arith.constant 0 : i32
      %dma_start3A_589 = tpu.memref_slice %arg6[%dma_start3A_587, %dma_start3A_588] : memref<1664x32xf32, #tpu.memory_space<vmem>> -> memref<128x32xf32, #tpu.memory_space<vmem>>
      %dma_start3A_590 = arith.constant 0 : i32
      %dma_start3A_591 = tpu.memref_slice %arg5[%add3A_586, %dma_start3A_590] : memref<104x128xi32, #tpu.memory_space<vmem>> -> memref<1x128xi32, #tpu.memory_space<vmem>>
      %dma_start3A_592 = tpu.memref_squeeze %dma_start3A_591 : memref<1x128xi32, #tpu.memory_space<vmem>> -> memref<128xi32, #tpu.memory_space<vmem>>
      %dma_start3A_593 = arith.constant 0 : i32
      %dma_start3A_594 = arith.constant 0 : i32
      %dma_start3A_595 = tpu.memref_slice %arg3[%dma_start3A_593, %dma_start3A_594] : memref<1000000x32xf32, #tpu.memory_space<hbm>> -> memref<1000000x32xf32, #tpu.memory_space<hbm>>
      tpu.enqueue_indirect_dma source(%dma_start3A_595 : memref<1000000x32xf32, #tpu.memory_space<hbm>>) target(%dma_start3A_589 : memref<128x32xf32, #tpu.memory_space<vmem>>) offsets(%dma_start3A_592 : memref<128xi32, #tpu.memory_space<vmem>>) semaphore(%arg8 : memref<!tpu.dma_semaphore, #tpu.memory_space<semaphore_mem>>)
      %mul3A_596 = arith.constant 13 : i32
      %mul3A_597 = arith.muli %add3A_561, %mul3A_596 : i32
      %add3A_598 = arith.constant 2 : i32
      %add3A_599 = arith.addi %mul3A_597, %add3A_598 : i32
      %dma_start3A_600 = arith.constant 256 : i32
      %dma_start3A_601 = arith.constant 0 : i32
      %dma_start3A_602 = tpu.memref_slice %arg6[%dma_start3A_600, %dma_start3A_601] : memref<1664x32xf32, #tpu.memory_space<vmem>> -> memref<128x32xf32, #tpu.memory_space<vmem>>
      %dma_start3A_603 = arith.constant 0 : i32
      %dma_start3A_604 = tpu.memref_slice %arg5[%add3A_599, %dma_start3A_603] : memref<104x128xi32, #tpu.memory_space<vmem>> -> memref<1x128xi32, #tpu.memory_space<vmem>>
      %dma_start3A_605 = tpu.memref_squeeze %dma_start3A_604 : memref<1x128xi32, #tpu.memory_space<vmem>> -> memref<128xi32, #tpu.memory_space<vmem>>
      %dma_start3A_606 = arith.constant 0 : i32
      %dma_start3A_607 = arith.constant 0 : i32
      %dma_start3A_608 = tpu.memref_slice %arg3[%dma_start3A_606, %dma_start3A_607] : memref<1000000x32xf32, #tpu.memory_space<hbm>> -> memref<1000000x32xf32, #tpu.memory_space<hbm>>
      tpu.enqueue_indirect_dma source(%dma_start3A_608 : memref<1000000x32xf32, #tpu.memory_space<hbm>>) target(%dma_start3A_602 : memref<128x32xf32, #tpu.memory_space<vmem>>) offsets(%dma_start3A_605 : memref<128xi32, #tpu.memory_space<vmem>>) semaphore(%arg8 : memref<!tpu.dma_semaphore, #tpu.memory_space<semaphore_mem>>)
      %mul3A_609 = arith.constant 13 : i32
      %mul3A_610 = arith.muli %add3A_561, %mul3A_609 : i32
      %add3A_611 = arith.constant 3 : i32
      %add3A_612 = arith.addi %mul3A_610, %add3A_611 : i32
      %dma_start3A_613 = arith.constant 384 : i32
      %dma_start3A_614 = arith.constant 0 : i32
      %dma_start3A_615 = tpu.memref_slice %arg6[%dma_start3A_613, %dma_start3A_614] : memref<1664x32xf32, #tpu.memory_space<vmem>> -> memref<128x32xf32, #tpu.memory_space<vmem>>
      %dma_start3A_616 = arith.constant 0 : i32
      %dma_start3A_617 = tpu.memref_slice %arg5[%add3A_612, %dma_start3A_616] : memref<104x128xi32, #tpu.memory_space<vmem>> -> memref<1x128xi32, #tpu.memory_space<vmem>>
      %dma_start3A_618 = tpu.memref_squeeze %dma_start3A_617 : memref<1x128xi32, #tpu.memory_space<vmem>> -> memref<128xi32, #tpu.memory_space<vmem>>
      %dma_start3A_619 = arith.constant 0 : i32
      %dma_start3A_620 = arith.constant 0 : i32
      %dma_start3A_621 = tpu.memref_slice %arg3[%dma_start3A_619, %dma_start3A_620] : memref<1000000x32xf32, #tpu.memory_space<hbm>> -> memref<1000000x32xf32, #tpu.memory_space<hbm>>
      tpu.enqueue_indirect_dma source(%dma_start3A_621 : memref<1000000x32xf32, #tpu.memory_space<hbm>>) target(%dma_start3A_615 : memref<128x32xf32, #tpu.memory_space<vmem>>) offsets(%dma_start3A_618 : memref<128xi32, #tpu.memory_space<vmem>>) semaphore(%arg8 : memref<!tpu.dma_semaphore, #tpu.memory_space<semaphore_mem>>)
      %mul3A_622 = arith.constant 13 : i32
      %mul3A_623 = arith.muli %add3A_561, %mul3A_622 : i32
      %add3A_624 = arith.constant 4 : i32
      %add3A_625 = arith.addi %mul3A_623, %add3A_624 : i32
      %dma_start3A_626 = arith.constant 512 : i32
      %dma_start3A_627 = arith.constant 0 : i32
      %dma_start3A_628 = tpu.memref_slice %arg6[%dma_start3A_626, %dma_start3A_627] : memref<1664x32xf32, #tpu.memory_space<vmem>> -> memref<128x32xf32, #tpu.memory_space<vmem>>
      %dma_start3A_629 = arith.constant 0 : i32
      %dma_start3A_630 = tpu.memref_slice %arg5[%add3A_625, %dma_start3A_629] : memref<104x128xi32, #tpu.memory_space<vmem>> -> memref<1x128xi32, #tpu.memory_space<vmem>>
      %dma_start3A_631 = tpu.memref_squeeze %dma_start3A_630 : memref<1x128xi32, #tpu.memory_space<vmem>> -> memref<128xi32, #tpu.memory_space<vmem>>
      %dma_start3A_632 = arith.constant 0 : i32
      %dma_start3A_633 = arith.constant 0 : i32
      %dma_start3A_634 = tpu.memref_slice %arg3[%dma_start3A_632, %dma_start3A_633] : memref<1000000x32xf32, #tpu.memory_space<hbm>> -> memref<1000000x32xf32, #tpu.memory_space<hbm>>
      tpu.enqueue_indirect_dma source(%dma_start3A_634 : memref<1000000x32xf32, #tpu.memory_space<hbm>>) target(%dma_start3A_628 : memref<128x32xf32, #tpu.memory_space<vmem>>) offsets(%dma_start3A_631 : memref<128xi32, #tpu.memory_space<vmem>>) semaphore(%arg8 : memref<!tpu.dma_semaphore, #tpu.memory_space<semaphore_mem>>)
      %mul3A_635 = arith.constant 13 : i32
      %mul3A_636 = arith.muli %add3A_561, %mul3A_635 : i32
      %add3A_637 = arith.constant 5 : i32
      %add3A_638 = arith.addi %mul3A_636, %add3A_637 : i32
      %dma_start3A_639 = arith.constant 640 : i32
      %dma_start3A_640 = arith.constant 0 : i32
      %dma_start3A_641 = tpu.memref_slice %arg6[%dma_start3A_639, %dma_start3A_640] : memref<1664x32xf32, #tpu.memory_space<vmem>> -> memref<128x32xf32, #tpu.memory_space<vmem>>
      %dma_start3A_642 = arith.constant 0 : i32
      %dma_start3A_643 = tpu.memref_slice %arg5[%add3A_638, %dma_start3A_642] : memref<104x128xi32, #tpu.memory_space<vmem>> -> memref<1x128xi32, #tpu.memory_space<vmem>>
      %dma_start3A_644 = tpu.memref_squeeze %dma_start3A_643 : memref<1x128xi32, #tpu.memory_space<vmem>> -> memref<128xi32, #tpu.memory_space<vmem>>
      %dma_start3A_645 = arith.constant 0 : i32
      %dma_start3A_646 = arith.constant 0 : i32
      %dma_start3A_647 = tpu.memref_slice %arg3[%dma_start3A_645, %dma_start3A_646] : memref<1000000x32xf32, #tpu.memory_space<hbm>> -> memref<1000000x32xf32, #tpu.memory_space<hbm>>
      tpu.enqueue_indirect_dma source(%dma_start3A_647 : memref<1000000x32xf32, #tpu.memory_space<hbm>>) target(%dma_start3A_641 : memref<128x32xf32, #tpu.memory_space<vmem>>) offsets(%dma_start3A_644 : memref<128xi32, #tpu.memory_space<vmem>>) semaphore(%arg8 : memref<!tpu.dma_semaphore, #tpu.memory_space<semaphore_mem>>)
      %mul3A_648 = arith.constant 13 : i32
      %mul3A_649 = arith.muli %add3A_561, %mul3A_648 : i32
      %add3A_650 = arith.constant 6 : i32
      %add3A_651 = arith.addi %mul3A_649, %add3A_650 : i32
      %dma_start3A_652 = arith.constant 768 : i32
      %dma_start3A_653 = arith.constant 0 : i32
      %dma_start3A_654 = tpu.memref_slice %arg6[%dma_start3A_652, %dma_start3A_653] : memref<1664x32xf32, #tpu.memory_space<vmem>> -> memref<128x32xf32, #tpu.memory_space<vmem>>
      %dma_start3A_655 = arith.constant 0 : i32
      %dma_start3A_656 = tpu.memref_slice %arg5[%add3A_651, %dma_start3A_655] : memref<104x128xi32, #tpu.memory_space<vmem>> -> memref<1x128xi32, #tpu.memory_space<vmem>>
      %dma_start3A_657 = tpu.memref_squeeze %dma_start3A_656 : memref<1x128xi32, #tpu.memory_space<vmem>> -> memref<128xi32, #tpu.memory_space<vmem>>
      %dma_start3A_658 = arith.constant 0 : i32
      %dma_start3A_659 = arith.constant 0 : i32
      %dma_start3A_660 = tpu.memref_slice %arg3[%dma_start3A_658, %dma_start3A_659] : memref<1000000x32xf32, #tpu.memory_space<hbm>> -> memref<1000000x32xf32, #tpu.memory_space<hbm>>
      tpu.enqueue_indirect_dma source(%dma_start3A_660 : memref<1000000x32xf32, #tpu.memory_space<hbm>>) target(%dma_start3A_654 : memref<128x32xf32, #tpu.memory_space<vmem>>) offsets(%dma_start3A_657 : memref<128xi32, #tpu.memory_space<vmem>>) semaphore(%arg8 : memref<!tpu.dma_semaphore, #tpu.memory_space<semaphore_mem>>)
      %mul3A_661 = arith.constant 13 : i32
      %mul3A_662 = arith.muli %add3A_561, %mul3A_661 : i32
      %add3A_663 = arith.constant 7 : i32
      %add3A_664 = arith.addi %mul3A_662, %add3A_663 : i32
      %dma_start3A_665 = arith.constant 896 : i32
      %dma_start3A_666 = arith.constant 0 : i32
      %dma_start3A_667 = tpu.memref_slice %arg6[%dma_start3A_665, %dma_start3A_666] : memref<1664x32xf32, #tpu.memory_space<vmem>> -> memref<128x32xf32, #tpu.memory_space<vmem>>
      %dma_start3A_668 = arith.constant 0 : i32
      %dma_start3A_669 = tpu.memref_slice %arg5[%add3A_664, %dma_start3A_668] : memref<104x128xi32, #tpu.memory_space<vmem>> -> memref<1x128xi32, #tpu.memory_space<vmem>>
      %dma_start3A_670 = tpu.memref_squeeze %dma_start3A_669 : memref<1x128xi32, #tpu.memory_space<vmem>> -> memref<128xi32, #tpu.memory_space<vmem>>
      %dma_start3A_671 = arith.constant 0 : i32
      %dma_start3A_672 = arith.constant 0 : i32
      %dma_start3A_673 = tpu.memref_slice %arg3[%dma_start3A_671, %dma_start3A_672] : memref<1000000x32xf32, #tpu.memory_space<hbm>> -> memref<1000000x32xf32, #tpu.memory_space<hbm>>
      tpu.enqueue_indirect_dma source(%dma_start3A_673 : memref<1000000x32xf32, #tpu.memory_space<hbm>>) target(%dma_start3A_667 : memref<128x32xf32, #tpu.memory_space<vmem>>) offsets(%dma_start3A_670 : memref<128xi32, #tpu.memory_space<vmem>>) semaphore(%arg8 : memref<!tpu.dma_semaphore, #tpu.memory_space<semaphore_mem>>)
      %mul3A_674 = arith.constant 13 : i32
      %mul3A_675 = arith.muli %add3A_561, %mul3A_674 : i32
      %add3A_676 = arith.constant 8 : i32
      %add3A_677 = arith.addi %mul3A_675, %add3A_676 : i32
      %dma_start3A_678 = arith.constant 1024 : i32
      %dma_start3A_679 = arith.constant 0 : i32
      %dma_start3A_680 = tpu.memref_slice %arg6[%dma_start3A_678, %dma_start3A_679] : memref<1664x32xf32, #tpu.memory_space<vmem>> -> memref<128x32xf32, #tpu.memory_space<vmem>>
      %dma_start3A_681 = arith.constant 0 : i32
      %dma_start3A_682 = tpu.memref_slice %arg5[%add3A_677, %dma_start3A_681] : memref<104x128xi32, #tpu.memory_space<vmem>> -> memref<1x128xi32, #tpu.memory_space<vmem>>
      %dma_start3A_683 = tpu.memref_squeeze %dma_start3A_682 : memref<1x128xi32, #tpu.memory_space<vmem>> -> memref<128xi32, #tpu.memory_space<vmem>>
      %dma_start3A_684 = arith.constant 0 : i32
      %dma_start3A_685 = arith.constant 0 : i32
      %dma_start3A_686 = tpu.memref_slice %arg3[%dma_start3A_684, %dma_start3A_685] : memref<1000000x32xf32, #tpu.memory_space<hbm>> -> memref<1000000x32xf32, #tpu.memory_space<hbm>>
      tpu.enqueue_indirect_dma source(%dma_start3A_686 : memref<1000000x32xf32, #tpu.memory_space<hbm>>) target(%dma_start3A_680 : memref<128x32xf32, #tpu.memory_space<vmem>>) offsets(%dma_start3A_683 : memref<128xi32, #tpu.memory_space<vmem>>) semaphore(%arg8 : memref<!tpu.dma_semaphore, #tpu.memory_space<semaphore_mem>>)
      %mul3A_687 = arith.constant 13 : i32
      %mul3A_688 = arith.muli %add3A_561, %mul3A_687 : i32
      %add3A_689 = arith.constant 9 : i32
      %add3A_690 = arith.addi %mul3A_688, %add3A_689 : i32
      %dma_start3A_691 = arith.constant 1152 : i32
      %dma_start3A_692 = arith.constant 0 : i32
      %dma_start3A_693 = tpu.memref_slice %arg6[%dma_start3A_691, %dma_start3A_692] : memref<1664x32xf32, #tpu.memory_space<vmem>> -> memref<128x32xf32, #tpu.memory_space<vmem>>
      %dma_start3A_694 = arith.constant 0 : i32
      %dma_start3A_695 = tpu.memref_slice %arg5[%add3A_690, %dma_start3A_694] : memref<104x128xi32, #tpu.memory_space<vmem>> -> memref<1x128xi32, #tpu.memory_space<vmem>>
      %dma_start3A_696 = tpu.memref_squeeze %dma_start3A_695 : memref<1x128xi32, #tpu.memory_space<vmem>> -> memref<128xi32, #tpu.memory_space<vmem>>
      %dma_start3A_697 = arith.constant 0 : i32
      %dma_start3A_698 = arith.constant 0 : i32
      %dma_start3A_699 = tpu.memref_slice %arg3[%dma_start3A_697, %dma_start3A_698] : memref<1000000x32xf32, #tpu.memory_space<hbm>> -> memref<1000000x32xf32, #tpu.memory_space<hbm>>
      tpu.enqueue_indirect_dma source(%dma_start3A_699 : memref<1000000x32xf32, #tpu.memory_space<hbm>>) target(%dma_start3A_693 : memref<128x32xf32, #tpu.memory_space<vmem>>) offsets(%dma_start3A_696 : memref<128xi32, #tpu.memory_space<vmem>>) semaphore(%arg8 : memref<!tpu.dma_semaphore, #tpu.memory_space<semaphore_mem>>)
      %mul3A_700 = arith.constant 13 : i32
      %mul3A_701 = arith.muli %add3A_561, %mul3A_700 : i32
      %add3A_702 = arith.constant 10 : i32
      %add3A_703 = arith.addi %mul3A_701, %add3A_702 : i32
      %dma_start3A_704 = arith.constant 1280 : i32
      %dma_start3A_705 = arith.constant 0 : i32
      %dma_start3A_706 = tpu.memref_slice %arg6[%dma_start3A_704, %dma_start3A_705] : memref<1664x32xf32, #tpu.memory_space<vmem>> -> memref<128x32xf32, #tpu.memory_space<vmem>>
      %dma_start3A_707 = arith.constant 0 : i32
      %dma_start3A_708 = tpu.memref_slice %arg5[%add3A_703, %dma_start3A_707] : memref<104x128xi32, #tpu.memory_space<vmem>> -> memref<1x128xi32, #tpu.memory_space<vmem>>
      %dma_start3A_709 = tpu.memref_squeeze %dma_start3A_708 : memref<1x128xi32, #tpu.memory_space<vmem>> -> memref<128xi32, #tpu.memory_space<vmem>>
      %dma_start3A_710 = arith.constant 0 : i32
      %dma_start3A_711 = arith.constant 0 : i32
      %dma_start3A_712 = tpu.memref_slice %arg3[%dma_start3A_710, %dma_start3A_711] : memref<1000000x32xf32, #tpu.memory_space<hbm>> -> memref<1000000x32xf32, #tpu.memory_space<hbm>>
      tpu.enqueue_indirect_dma source(%dma_start3A_712 : memref<1000000x32xf32, #tpu.memory_space<hbm>>) target(%dma_start3A_706 : memref<128x32xf32, #tpu.memory_space<vmem>>) offsets(%dma_start3A_709 : memref<128xi32, #tpu.memory_space<vmem>>) semaphore(%arg8 : memref<!tpu.dma_semaphore, #tpu.memory_space<semaphore_mem>>)
      %mul3A_713 = arith.constant 13 : i32
      %mul3A_714 = arith.muli %add3A_561, %mul3A_713 : i32
      %add3A_715 = arith.constant 11 : i32
      %add3A_716 = arith.addi %mul3A_714, %add3A_715 : i32
      %dma_start3A_717 = arith.constant 1408 : i32
      %dma_start3A_718 = arith.constant 0 : i32
      %dma_start3A_719 = tpu.memref_slice %arg6[%dma_start3A_717, %dma_start3A_718] : memref<1664x32xf32, #tpu.memory_space<vmem>> -> memref<128x32xf32, #tpu.memory_space<vmem>>
      %dma_start3A_720 = arith.constant 0 : i32
      %dma_start3A_721 = tpu.memref_slice %arg5[%add3A_716, %dma_start3A_720] : memref<104x128xi32, #tpu.memory_space<vmem>> -> memref<1x128xi32, #tpu.memory_space<vmem>>
      %dma_start3A_722 = tpu.memref_squeeze %dma_start3A_721 : memref<1x128xi32, #tpu.memory_space<vmem>> -> memref<128xi32, #tpu.memory_space<vmem>>
      %dma_start3A_723 = arith.constant 0 : i32
      %dma_start3A_724 = arith.constant 0 : i32
      %dma_start3A_725 = tpu.memref_slice %arg3[%dma_start3A_723, %dma_start3A_724] : memref<1000000x32xf32, #tpu.memory_space<hbm>> -> memref<1000000x32xf32, #tpu.memory_space<hbm>>
      tpu.enqueue_indirect_dma source(%dma_start3A_725 : memref<1000000x32xf32, #tpu.memory_space<hbm>>) target(%dma_start3A_719 : memref<128x32xf32, #tpu.memory_space<vmem>>) offsets(%dma_start3A_722 : memref<128xi32, #tpu.memory_space<vmem>>) semaphore(%arg8 : memref<!tpu.dma_semaphore, #tpu.memory_space<semaphore_mem>>)
      %mul3A_726 = arith.constant 13 : i32
      %mul3A_727 = arith.muli %add3A_561, %mul3A_726 : i32
      %add3A_728 = arith.constant 12 : i32
      %add3A_729 = arith.addi %mul3A_727, %add3A_728 : i32
      %dma_start3A_730 = arith.constant 1536 : i32
      %dma_start3A_731 = arith.constant 0 : i32
      %dma_start3A_732 = tpu.memref_slice %arg6[%dma_start3A_730, %dma_start3A_731] : memref<1664x32xf32, #tpu.memory_space<vmem>> -> memref<128x32xf32, #tpu.memory_space<vmem>>
      %dma_start3A_733 = arith.constant 0 : i32
      %dma_start3A_734 = tpu.memref_slice %arg5[%add3A_729, %dma_start3A_733] : memref<104x128xi32, #tpu.memory_space<vmem>> -> memref<1x128xi32, #tpu.memory_space<vmem>>
      %dma_start3A_735 = tpu.memref_squeeze %dma_start3A_734 : memref<1x128xi32, #tpu.memory_space<vmem>> -> memref<128xi32, #tpu.memory_space<vmem>>
      %dma_start3A_736 = arith.constant 0 : i32
      %dma_start3A_737 = arith.constant 0 : i32
      %dma_start3A_738 = tpu.memref_slice %arg3[%dma_start3A_736, %dma_start3A_737] : memref<1000000x32xf32, #tpu.memory_space<hbm>> -> memref<1000000x32xf32, #tpu.memory_space<hbm>>
      tpu.enqueue_indirect_dma source(%dma_start3A_738 : memref<1000000x32xf32, #tpu.memory_space<hbm>>) target(%dma_start3A_732 : memref<128x32xf32, #tpu.memory_space<vmem>>) offsets(%dma_start3A_735 : memref<128xi32, #tpu.memory_space<vmem>>) semaphore(%arg8 : memref<!tpu.dma_semaphore, #tpu.memory_space<semaphore_mem>>)
      %dma_wait3A_739 = arith.constant 0 : i32
      %dma_wait3A_740 = arith.constant 0 : i32
      %dma_wait3A_741 = tpu.memref_slice %arg6[%dma_wait3A_739, %dma_wait3A_740] : memref<1664x32xf32, #tpu.memory_space<vmem>> -> memref<128x32xf32, #tpu.memory_space<vmem>>
      %dma_wait3A_742 = arith.constant 0 : i32
      %dma_wait3A_743 = tpu.memref_slice %arg5[%add3A_573, %dma_wait3A_742] : memref<104x128xi32, #tpu.memory_space<vmem>> -> memref<1x128xi32, #tpu.memory_space<vmem>>
      %dma_wait3A_744 = tpu.memref_squeeze %dma_wait3A_743 : memref<1x128xi32, #tpu.memory_space<vmem>> -> memref<128xi32, #tpu.memory_space<vmem>>
      %dma_wait3A_745 = arith.constant 0 : i32
      %dma_wait3A_746 = arith.constant 0 : i32
      %dma_wait3A_747 = tpu.memref_slice %arg3[%dma_wait3A_745, %dma_wait3A_746] : memref<1000000x32xf32, #tpu.memory_space<hbm>> -> memref<1000000x32xf32, #tpu.memory_space<hbm>>
      tpu.wait_indirect_dma semaphore(%arg8 : memref<!tpu.dma_semaphore, #tpu.memory_space<semaphore_mem>>) src(%dma_wait3A_747 : memref<1000000x32xf32, #tpu.memory_space<hbm>>) dst(%dma_wait3A_741 : memref<128x32xf32, #tpu.memory_space<vmem>>)
      %dma_wait3A_748 = arith.constant 128 : i32
      %dma_wait3A_749 = arith.constant 0 : i32
      %dma_wait3A_750 = tpu.memref_slice %arg6[%dma_wait3A_748, %dma_wait3A_749] : memref<1664x32xf32, #tpu.memory_space<vmem>> -> memref<128x32xf32, #tpu.memory_space<vmem>>
      %dma_wait3A_751 = arith.constant 0 : i32
      %dma_wait3A_752 = tpu.memref_slice %arg5[%add3A_586, %dma_wait3A_751] : memref<104x128xi32, #tpu.memory_space<vmem>> -> memref<1x128xi32, #tpu.memory_space<vmem>>
      %dma_wait3A_753 = tpu.memref_squeeze %dma_wait3A_752 : memref<1x128xi32, #tpu.memory_space<vmem>> -> memref<128xi32, #tpu.memory_space<vmem>>
      %dma_wait3A_754 = arith.constant 0 : i32
      %dma_wait3A_755 = arith.constant 0 : i32
      %dma_wait3A_756 = tpu.memref_slice %arg3[%dma_wait3A_754, %dma_wait3A_755] : memref<1000000x32xf32, #tpu.memory_space<hbm>> -> memref<1000000x32xf32, #tpu.memory_space<hbm>>
      tpu.wait_indirect_dma semaphore(%arg8 : memref<!tpu.dma_semaphore, #tpu.memory_space<semaphore_mem>>) src(%dma_wait3A_756 : memref<1000000x32xf32, #tpu.memory_space<hbm>>) dst(%dma_wait3A_750 : memref<128x32xf32, #tpu.memory_space<vmem>>)
      %dma_wait3A_757 = arith.constant 256 : i32
      %dma_wait3A_758 = arith.constant 0 : i32
      %dma_wait3A_759 = tpu.memref_slice %arg6[%dma_wait3A_757, %dma_wait3A_758] : memref<1664x32xf32, #tpu.memory_space<vmem>> -> memref<128x32xf32, #tpu.memory_space<vmem>>
      %dma_wait3A_760 = arith.constant 0 : i32
      %dma_wait3A_761 = tpu.memref_slice %arg5[%add3A_599, %dma_wait3A_760] : memref<104x128xi32, #tpu.memory_space<vmem>> -> memref<1x128xi32, #tpu.memory_space<vmem>>
      %dma_wait3A_762 = tpu.memref_squeeze %dma_wait3A_761 : memref<1x128xi32, #tpu.memory_space<vmem>> -> memref<128xi32, #tpu.memory_space<vmem>>
      %dma_wait3A_763 = arith.constant 0 : i32
      %dma_wait3A_764 = arith.constant 0 : i32
      %dma_wait3A_765 = tpu.memref_slice %arg3[%dma_wait3A_763, %dma_wait3A_764] : memref<1000000x32xf32, #tpu.memory_space<hbm>> -> memref<1000000x32xf32, #tpu.memory_space<hbm>>
      tpu.wait_indirect_dma semaphore(%arg8 : memref<!tpu.dma_semaphore, #tpu.memory_space<semaphore_mem>>) src(%dma_wait3A_765 : memref<1000000x32xf32, #tpu.memory_space<hbm>>) dst(%dma_wait3A_759 : memref<128x32xf32, #tpu.memory_space<vmem>>)
      %dma_wait3A_766 = arith.constant 384 : i32
      %dma_wait3A_767 = arith.constant 0 : i32
      %dma_wait3A_768 = tpu.memref_slice %arg6[%dma_wait3A_766, %dma_wait3A_767] : memref<1664x32xf32, #tpu.memory_space<vmem>> -> memref<128x32xf32, #tpu.memory_space<vmem>>
      %dma_wait3A_769 = arith.constant 0 : i32
      %dma_wait3A_770 = tpu.memref_slice %arg5[%add3A_612, %dma_wait3A_769] : memref<104x128xi32, #tpu.memory_space<vmem>> -> memref<1x128xi32, #tpu.memory_space<vmem>>
      %dma_wait3A_771 = tpu.memref_squeeze %dma_wait3A_770 : memref<1x128xi32, #tpu.memory_space<vmem>> -> memref<128xi32, #tpu.memory_space<vmem>>
      %dma_wait3A_772 = arith.constant 0 : i32
      %dma_wait3A_773 = arith.constant 0 : i32
      %dma_wait3A_774 = tpu.memref_slice %arg3[%dma_wait3A_772, %dma_wait3A_773] : memref<1000000x32xf32, #tpu.memory_space<hbm>> -> memref<1000000x32xf32, #tpu.memory_space<hbm>>
      tpu.wait_indirect_dma semaphore(%arg8 : memref<!tpu.dma_semaphore, #tpu.memory_space<semaphore_mem>>) src(%dma_wait3A_774 : memref<1000000x32xf32, #tpu.memory_space<hbm>>) dst(%dma_wait3A_768 : memref<128x32xf32, #tpu.memory_space<vmem>>)
      %dma_wait3A_775 = arith.constant 512 : i32
      %dma_wait3A_776 = arith.constant 0 : i32
      %dma_wait3A_777 = tpu.memref_slice %arg6[%dma_wait3A_775, %dma_wait3A_776] : memref<1664x32xf32, #tpu.memory_space<vmem>> -> memref<128x32xf32, #tpu.memory_space<vmem>>
      %dma_wait3A_778 = arith.constant 0 : i32
      %dma_wait3A_779 = tpu.memref_slice %arg5[%add3A_625, %dma_wait3A_778] : memref<104x128xi32, #tpu.memory_space<vmem>> -> memref<1x128xi32, #tpu.memory_space<vmem>>
      %dma_wait3A_780 = tpu.memref_squeeze %dma_wait3A_779 : memref<1x128xi32, #tpu.memory_space<vmem>> -> memref<128xi32, #tpu.memory_space<vmem>>
      %dma_wait3A_781 = arith.constant 0 : i32
      %dma_wait3A_782 = arith.constant 0 : i32
      %dma_wait3A_783 = tpu.memref_slice %arg3[%dma_wait3A_781, %dma_wait3A_782] : memref<1000000x32xf32, #tpu.memory_space<hbm>> -> memref<1000000x32xf32, #tpu.memory_space<hbm>>
      tpu.wait_indirect_dma semaphore(%arg8 : memref<!tpu.dma_semaphore, #tpu.memory_space<semaphore_mem>>) src(%dma_wait3A_783 : memref<1000000x32xf32, #tpu.memory_space<hbm>>) dst(%dma_wait3A_777 : memref<128x32xf32, #tpu.memory_space<vmem>>)
      %dma_wait3A_784 = arith.constant 640 : i32
      %dma_wait3A_785 = arith.constant 0 : i32
      %dma_wait3A_786 = tpu.memref_slice %arg6[%dma_wait3A_784, %dma_wait3A_785] : memref<1664x32xf32, #tpu.memory_space<vmem>> -> memref<128x32xf32, #tpu.memory_space<vmem>>
      %dma_wait3A_787 = arith.constant 0 : i32
      %dma_wait3A_788 = tpu.memref_slice %arg5[%add3A_638, %dma_wait3A_787] : memref<104x128xi32, #tpu.memory_space<vmem>> -> memref<1x128xi32, #tpu.memory_space<vmem>>
      %dma_wait3A_789 = tpu.memref_squeeze %dma_wait3A_788 : memref<1x128xi32, #tpu.memory_space<vmem>> -> memref<128xi32, #tpu.memory_space<vmem>>
      %dma_wait3A_790 = arith.constant 0 : i32
      %dma_wait3A_791 = arith.constant 0 : i32
      %dma_wait3A_792 = tpu.memref_slice %arg3[%dma_wait3A_790, %dma_wait3A_791] : memref<1000000x32xf32, #tpu.memory_space<hbm>> -> memref<1000000x32xf32, #tpu.memory_space<hbm>>
      tpu.wait_indirect_dma semaphore(%arg8 : memref<!tpu.dma_semaphore, #tpu.memory_space<semaphore_mem>>) src(%dma_wait3A_792 : memref<1000000x32xf32, #tpu.memory_space<hbm>>) dst(%dma_wait3A_786 : memref<128x32xf32, #tpu.memory_space<vmem>>)
      %dma_wait3A_793 = arith.constant 768 : i32
      %dma_wait3A_794 = arith.constant 0 : i32
      %dma_wait3A_795 = tpu.memref_slice %arg6[%dma_wait3A_793, %dma_wait3A_794] : memref<1664x32xf32, #tpu.memory_space<vmem>> -> memref<128x32xf32, #tpu.memory_space<vmem>>
      %dma_wait3A_796 = arith.constant 0 : i32
      %dma_wait3A_797 = tpu.memref_slice %arg5[%add3A_651, %dma_wait3A_796] : memref<104x128xi32, #tpu.memory_space<vmem>> -> memref<1x128xi32, #tpu.memory_space<vmem>>
      %dma_wait3A_798 = tpu.memref_squeeze %dma_wait3A_797 : memref<1x128xi32, #tpu.memory_space<vmem>> -> memref<128xi32, #tpu.memory_space<vmem>>
      %dma_wait3A_799 = arith.constant 0 : i32
      %dma_wait3A_800 = arith.constant 0 : i32
      %dma_wait3A_801 = tpu.memref_slice %arg3[%dma_wait3A_799, %dma_wait3A_800] : memref<1000000x32xf32, #tpu.memory_space<hbm>> -> memref<1000000x32xf32, #tpu.memory_space<hbm>>
      tpu.wait_indirect_dma semaphore(%arg8 : memref<!tpu.dma_semaphore, #tpu.memory_space<semaphore_mem>>) src(%dma_wait3A_801 : memref<1000000x32xf32, #tpu.memory_space<hbm>>) dst(%dma_wait3A_795 : memref<128x32xf32, #tpu.memory_space<vmem>>)
      %dma_wait3A_802 = arith.constant 896 : i32
      %dma_wait3A_803 = arith.constant 0 : i32
      %dma_wait3A_804 = tpu.memref_slice %arg6[%dma_wait3A_802, %dma_wait3A_803] : memref<1664x32xf32, #tpu.memory_space<vmem>> -> memref<128x32xf32, #tpu.memory_space<vmem>>
      %dma_wait3A_805 = arith.constant 0 : i32
      %dma_wait3A_806 = tpu.memref_slice %arg5[%add3A_664, %dma_wait3A_805] : memref<104x128xi32, #tpu.memory_space<vmem>> -> memref<1x128xi32, #tpu.memory_space<vmem>>
      %dma_wait3A_807 = tpu.memref_squeeze %dma_wait3A_806 : memref<1x128xi32, #tpu.memory_space<vmem>> -> memref<128xi32, #tpu.memory_space<vmem>>
      %dma_wait3A_808 = arith.constant 0 : i32
      %dma_wait3A_809 = arith.constant 0 : i32
      %dma_wait3A_810 = tpu.memref_slice %arg3[%dma_wait3A_808, %dma_wait3A_809] : memref<1000000x32xf32, #tpu.memory_space<hbm>> -> memref<1000000x32xf32, #tpu.memory_space<hbm>>
      tpu.wait_indirect_dma semaphore(%arg8 : memref<!tpu.dma_semaphore, #tpu.memory_space<semaphore_mem>>) src(%dma_wait3A_810 : memref<1000000x32xf32, #tpu.memory_space<hbm>>) dst(%dma_wait3A_804 : memref<128x32xf32, #tpu.memory_space<vmem>>)
      %dma_wait3A_811 = arith.constant 1024 : i32
      %dma_wait3A_812 = arith.constant 0 : i32
      %dma_wait3A_813 = tpu.memref_slice %arg6[%dma_wait3A_811, %dma_wait3A_812] : memref<1664x32xf32, #tpu.memory_space<vmem>> -> memref<128x32xf32, #tpu.memory_space<vmem>>
      %dma_wait3A_814 = arith.constant 0 : i32
      %dma_wait3A_815 = tpu.memref_slice %arg5[%add3A_677, %dma_wait3A_814] : memref<104x128xi32, #tpu.memory_space<vmem>> -> memref<1x128xi32, #tpu.memory_space<vmem>>
      %dma_wait3A_816 = tpu.memref_squeeze %dma_wait3A_815 : memref<1x128xi32, #tpu.memory_space<vmem>> -> memref<128xi32, #tpu.memory_space<vmem>>
      %dma_wait3A_817 = arith.constant 0 : i32
      %dma_wait3A_818 = arith.constant 0 : i32
      %dma_wait3A_819 = tpu.memref_slice %arg3[%dma_wait3A_817, %dma_wait3A_818] : memref<1000000x32xf32, #tpu.memory_space<hbm>> -> memref<1000000x32xf32, #tpu.memory_space<hbm>>
      tpu.wait_indirect_dma semaphore(%arg8 : memref<!tpu.dma_semaphore, #tpu.memory_space<semaphore_mem>>) src(%dma_wait3A_819 : memref<1000000x32xf32, #tpu.memory_space<hbm>>) dst(%dma_wait3A_813 : memref<128x32xf32, #tpu.memory_space<vmem>>)
      %dma_wait3A_820 = arith.constant 1152 : i32
      %dma_wait3A_821 = arith.constant 0 : i32
      %dma_wait3A_822 = tpu.memref_slice %arg6[%dma_wait3A_820, %dma_wait3A_821] : memref<1664x32xf32, #tpu.memory_space<vmem>> -> memref<128x32xf32, #tpu.memory_space<vmem>>
      %dma_wait3A_823 = arith.constant 0 : i32
      %dma_wait3A_824 = tpu.memref_slice %arg5[%add3A_690, %dma_wait3A_823] : memref<104x128xi32, #tpu.memory_space<vmem>> -> memref<1x128xi32, #tpu.memory_space<vmem>>
      %dma_wait3A_825 = tpu.memref_squeeze %dma_wait3A_824 : memref<1x128xi32, #tpu.memory_space<vmem>> -> memref<128xi32, #tpu.memory_space<vmem>>
      %dma_wait3A_826 = arith.constant 0 : i32
      %dma_wait3A_827 = arith.constant 0 : i32
      %dma_wait3A_828 = tpu.memref_slice %arg3[%dma_wait3A_826, %dma_wait3A_827] : memref<1000000x32xf32, #tpu.memory_space<hbm>> -> memref<1000000x32xf32, #tpu.memory_space<hbm>>
      tpu.wait_indirect_dma semaphore(%arg8 : memref<!tpu.dma_semaphore, #tpu.memory_space<semaphore_mem>>) src(%dma_wait3A_828 : memref<1000000x32xf32, #tpu.memory_space<hbm>>) dst(%dma_wait3A_822 : memref<128x32xf32, #tpu.memory_space<vmem>>)
      %dma_wait3A_829 = arith.constant 1280 : i32
      %dma_wait3A_830 = arith.constant 0 : i32
      %dma_wait3A_831 = tpu.memref_slice %arg6[%dma_wait3A_829, %dma_wait3A_830] : memref<1664x32xf32, #tpu.memory_space<vmem>> -> memref<128x32xf32, #tpu.memory_space<vmem>>
      %dma_wait3A_832 = arith.constant 0 : i32
      %dma_wait3A_833 = tpu.memref_slice %arg5[%add3A_703, %dma_wait3A_832] : memref<104x128xi32, #tpu.memory_space<vmem>> -> memref<1x128xi32, #tpu.memory_space<vmem>>
      %dma_wait3A_834 = tpu.memref_squeeze %dma_wait3A_833 : memref<1x128xi32, #tpu.memory_space<vmem>> -> memref<128xi32, #tpu.memory_space<vmem>>
      %dma_wait3A_835 = arith.constant 0 : i32
      %dma_wait3A_836 = arith.constant 0 : i32
      %dma_wait3A_837 = tpu.memref_slice %arg3[%dma_wait3A_835, %dma_wait3A_836] : memref<1000000x32xf32, #tpu.memory_space<hbm>> -> memref<1000000x32xf32, #tpu.memory_space<hbm>>
      tpu.wait_indirect_dma semaphore(%arg8 : memref<!tpu.dma_semaphore, #tpu.memory_space<semaphore_mem>>) src(%dma_wait3A_837 : memref<1000000x32xf32, #tpu.memory_space<hbm>>) dst(%dma_wait3A_831 : memref<128x32xf32, #tpu.memory_space<vmem>>)
      %dma_wait3A_838 = arith.constant 1408 : i32
      %dma_wait3A_839 = arith.constant 0 : i32
      %dma_wait3A_840 = tpu.memref_slice %arg6[%dma_wait3A_838, %dma_wait3A_839] : memref<1664x32xf32, #tpu.memory_space<vmem>> -> memref<128x32xf32, #tpu.memory_space<vmem>>
      %dma_wait3A_841 = arith.constant 0 : i32
      %dma_wait3A_842 = tpu.memref_slice %arg5[%add3A_716, %dma_wait3A_841] : memref<104x128xi32, #tpu.memory_space<vmem>> -> memref<1x128xi32, #tpu.memory_space<vmem>>
      %dma_wait3A_843 = tpu.memref_squeeze %dma_wait3A_842 : memref<1x128xi32, #tpu.memory_space<vmem>> -> memref<128xi32, #tpu.memory_space<vmem>>
      %dma_wait3A_844 = arith.constant 0 : i32
      %dma_wait3A_845 = arith.constant 0 : i32
      %dma_wait3A_846 = tpu.memref_slice %arg3[%dma_wait3A_844, %dma_wait3A_845] : memref<1000000x32xf32, #tpu.memory_space<hbm>> -> memref<1000000x32xf32, #tpu.memory_space<hbm>>
      tpu.wait_indirect_dma semaphore(%arg8 : memref<!tpu.dma_semaphore, #tpu.memory_space<semaphore_mem>>) src(%dma_wait3A_846 : memref<1000000x32xf32, #tpu.memory_space<hbm>>) dst(%dma_wait3A_840 : memref<128x32xf32, #tpu.memory_space<vmem>>)
      %dma_wait3A_847 = arith.constant 1536 : i32
      %dma_wait3A_848 = arith.constant 0 : i32
      %dma_wait3A_849 = tpu.memref_slice %arg6[%dma_wait3A_847, %dma_wait3A_848] : memref<1664x32xf32, #tpu.memory_space<vmem>> -> memref<128x32xf32, #tpu.memory_space<vmem>>
      %dma_wait3A_850 = arith.constant 0 : i32
      %dma_wait3A_851 = tpu.memref_slice %arg5[%add3A_729, %dma_wait3A_850] : memref<104x128xi32, #tpu.memory_space<vmem>> -> memref<1x128xi32, #tpu.memory_space<vmem>>
      %dma_wait3A_852 = tpu.memref_squeeze %dma_wait3A_851 : memref<1x128xi32, #tpu.memory_space<vmem>> -> memref<128xi32, #tpu.memory_space<vmem>>
      %dma_wait3A_853 = arith.constant 0 : i32
      %dma_wait3A_854 = arith.constant 0 : i32
      %dma_wait3A_855 = tpu.memref_slice %arg3[%dma_wait3A_853, %dma_wait3A_854] : memref<1000000x32xf32, #tpu.memory_space<hbm>> -> memref<1000000x32xf32, #tpu.memory_space<hbm>>
      tpu.wait_indirect_dma semaphore(%arg8 : memref<!tpu.dma_semaphore, #tpu.memory_space<semaphore_mem>>) src(%dma_wait3A_855 : memref<1000000x32xf32, #tpu.memory_space<hbm>>) dst(%dma_wait3A_849 : memref<128x32xf32, #tpu.memory_space<vmem>>)
      %mul3A_856 = arith.constant 1664 : i32
      %mul3A_857 = arith.muli %add3A_561, %mul3A_856 : i32
      %dma_start3A_858 = arith.constant 0 : i32
      %dma_start3A_859 = tpu.memref_slice %arg4[%add3A, %mul3A_857, %dma_start3A_858] : memref<32x13312x32xf32, #tpu.memory_space<hbm>> -> memref<1x1664x32xf32, #tpu.memory_space<hbm>>
      %dma_start3A_860 = tpu.memref_squeeze %dma_start3A_859 : memref<1x1664x32xf32, #tpu.memory_space<hbm>> -> memref<1664x32xf32, #tpu.memory_space<hbm>>
      %dma_start3A_861 = arith.constant 0 : i32
      %dma_start3A_862 = tpu.memref_slice %arg4[%add3A, %mul3A_857, %dma_start3A_861] : memref<32x13312x32xf32, #tpu.memory_space<hbm>> -> memref<1x1664x32xf32, #tpu.memory_space<hbm>>
      %dma_start3A_863 = tpu.memref_squeeze %dma_start3A_862 : memref<1x1664x32xf32, #tpu.memory_space<hbm>> -> memref<1664x32xf32, #tpu.memory_space<hbm>>
      tpu.enqueue_dma source(%arg6 : memref<1664x32xf32, #tpu.memory_space<vmem>>) target(%dma_start3A_863 : memref<1664x32xf32, #tpu.memory_space<hbm>>) target_semaphore(%arg10 : memref<!tpu.dma_semaphore, #tpu.memory_space<semaphore_mem>>)
      %add3A_864 = arith.constant 3 : i32
      %add3A_865 = arith.addi %add3A_559, %add3A_864 : i32
      %dma_wait3A_866 = arith.constant 0 : i32
      %dma_wait3A_867 = arith.constant 0 : i32
      %dma_wait3A_868 = tpu.memref_slice %arg4[%add3A, %dma_wait3A_866, %dma_wait3A_867] : memref<32x13312x32xf32, #tpu.memory_space<hbm>> -> memref<1x1664x32xf32, #tpu.memory_space<hbm>>
      %dma_wait3A_869 = tpu.memref_squeeze %dma_wait3A_868 : memref<1x1664x32xf32, #tpu.memory_space<hbm>> -> memref<1664x32xf32, #tpu.memory_space<hbm>>
      %dma_wait3A_870 = arith.constant 0 : i32
      %dma_wait3A_871 = arith.constant 0 : i32
      %dma_wait3A_872 = tpu.memref_slice %arg4[%add3A, %dma_wait3A_870, %dma_wait3A_871] : memref<32x13312x32xf32, #tpu.memory_space<hbm>> -> memref<1x1664x32xf32, #tpu.memory_space<hbm>>
      %dma_wait3A_873 = tpu.memref_squeeze %dma_wait3A_872 : memref<1x1664x32xf32, #tpu.memory_space<hbm>> -> memref<1664x32xf32, #tpu.memory_space<hbm>>
      tpu.wait_dma2 semaphore(%arg11 : memref<!tpu.dma_semaphore, #tpu.memory_space<semaphore_mem>>) src(%arg7 : memref<1664x32xf32, #tpu.memory_space<vmem>>) dst(%dma_wait3A_873 : memref<1664x32xf32, #tpu.memory_space<hbm>>)
      %mul3A_874 = arith.constant 13 : i32
      %mul3A_875 = arith.muli %add3A_865, %mul3A_874 : i32
      %add3A_876 = arith.constant 0 : i32
      %add3A_877 = arith.addi %mul3A_875, %add3A_876 : i32
      %dma_start3A_878 = arith.constant 0 : i32
      %dma_start3A_879 = arith.constant 0 : i32
      %dma_start3A_880 = tpu.memref_slice %arg7[%dma_start3A_878, %dma_start3A_879] : memref<1664x32xf32, #tpu.memory_space<vmem>> -> memref<128x32xf32, #tpu.memory_space<vmem>>
      %dma_start3A_881 = arith.constant 0 : i32
      %dma_start3A_882 = tpu.memref_slice %arg5[%add3A_877, %dma_start3A_881] : memref<104x128xi32, #tpu.memory_space<vmem>> -> memref<1x128xi32, #tpu.memory_space<vmem>>
      %dma_start3A_883 = tpu.memref_squeeze %dma_start3A_882 : memref<1x128xi32, #tpu.memory_space<vmem>> -> memref<128xi32, #tpu.memory_space<vmem>>
      %dma_start3A_884 = arith.constant 0 : i32
      %dma_start3A_885 = arith.constant 0 : i32
      %dma_start3A_886 = tpu.memref_slice %arg3[%dma_start3A_884, %dma_start3A_885] : memref<1000000x32xf32, #tpu.memory_space<hbm>> -> memref<1000000x32xf32, #tpu.memory_space<hbm>>
      tpu.enqueue_indirect_dma source(%dma_start3A_886 : memref<1000000x32xf32, #tpu.memory_space<hbm>>) target(%dma_start3A_880 : memref<128x32xf32, #tpu.memory_space<vmem>>) offsets(%dma_start3A_883 : memref<128xi32, #tpu.memory_space<vmem>>) semaphore(%arg9 : memref<!tpu.dma_semaphore, #tpu.memory_space<semaphore_mem>>)
      %mul3A_887 = arith.constant 13 : i32
      %mul3A_888 = arith.muli %add3A_865, %mul3A_887 : i32
      %add3A_889 = arith.constant 1 : i32
      %add3A_890 = arith.addi %mul3A_888, %add3A_889 : i32
      %dma_start3A_891 = arith.constant 128 : i32
      %dma_start3A_892 = arith.constant 0 : i32
      %dma_start3A_893 = tpu.memref_slice %arg7[%dma_start3A_891, %dma_start3A_892] : memref<1664x32xf32, #tpu.memory_space<vmem>> -> memref<128x32xf32, #tpu.memory_space<vmem>>
      %dma_start3A_894 = arith.constant 0 : i32
      %dma_start3A_895 = tpu.memref_slice %arg5[%add3A_890, %dma_start3A_894] : memref<104x128xi32, #tpu.memory_space<vmem>> -> memref<1x128xi32, #tpu.memory_space<vmem>>
      %dma_start3A_896 = tpu.memref_squeeze %dma_start3A_895 : memref<1x128xi32, #tpu.memory_space<vmem>> -> memref<128xi32, #tpu.memory_space<vmem>>
      %dma_start3A_897 = arith.constant 0 : i32
      %dma_start3A_898 = arith.constant 0 : i32
      %dma_start3A_899 = tpu.memref_slice %arg3[%dma_start3A_897, %dma_start3A_898] : memref<1000000x32xf32, #tpu.memory_space<hbm>> -> memref<1000000x32xf32, #tpu.memory_space<hbm>>
      tpu.enqueue_indirect_dma source(%dma_start3A_899 : memref<1000000x32xf32, #tpu.memory_space<hbm>>) target(%dma_start3A_893 : memref<128x32xf32, #tpu.memory_space<vmem>>) offsets(%dma_start3A_896 : memref<128xi32, #tpu.memory_space<vmem>>) semaphore(%arg9 : memref<!tpu.dma_semaphore, #tpu.memory_space<semaphore_mem>>)
      %mul3A_900 = arith.constant 13 : i32
      %mul3A_901 = arith.muli %add3A_865, %mul3A_900 : i32
      %add3A_902 = arith.constant 2 : i32
      %add3A_903 = arith.addi %mul3A_901, %add3A_902 : i32
      %dma_start3A_904 = arith.constant 256 : i32
      %dma_start3A_905 = arith.constant 0 : i32
      %dma_start3A_906 = tpu.memref_slice %arg7[%dma_start3A_904, %dma_start3A_905] : memref<1664x32xf32, #tpu.memory_space<vmem>> -> memref<128x32xf32, #tpu.memory_space<vmem>>
      %dma_start3A_907 = arith.constant 0 : i32
      %dma_start3A_908 = tpu.memref_slice %arg5[%add3A_903, %dma_start3A_907] : memref<104x128xi32, #tpu.memory_space<vmem>> -> memref<1x128xi32, #tpu.memory_space<vmem>>
      %dma_start3A_909 = tpu.memref_squeeze %dma_start3A_908 : memref<1x128xi32, #tpu.memory_space<vmem>> -> memref<128xi32, #tpu.memory_space<vmem>>
      %dma_start3A_910 = arith.constant 0 : i32
      %dma_start3A_911 = arith.constant 0 : i32
      %dma_start3A_912 = tpu.memref_slice %arg3[%dma_start3A_910, %dma_start3A_911] : memref<1000000x32xf32, #tpu.memory_space<hbm>> -> memref<1000000x32xf32, #tpu.memory_space<hbm>>
      tpu.enqueue_indirect_dma source(%dma_start3A_912 : memref<1000000x32xf32, #tpu.memory_space<hbm>>) target(%dma_start3A_906 : memref<128x32xf32, #tpu.memory_space<vmem>>) offsets(%dma_start3A_909 : memref<128xi32, #tpu.memory_space<vmem>>) semaphore(%arg9 : memref<!tpu.dma_semaphore, #tpu.memory_space<semaphore_mem>>)
      %mul3A_913 = arith.constant 13 : i32
      %mul3A_914 = arith.muli %add3A_865, %mul3A_913 : i32
      %add3A_915 = arith.constant 3 : i32
      %add3A_916 = arith.addi %mul3A_914, %add3A_915 : i32
      %dma_start3A_917 = arith.constant 384 : i32
      %dma_start3A_918 = arith.constant 0 : i32
      %dma_start3A_919 = tpu.memref_slice %arg7[%dma_start3A_917, %dma_start3A_918] : memref<1664x32xf32, #tpu.memory_space<vmem>> -> memref<128x32xf32, #tpu.memory_space<vmem>>
      %dma_start3A_920 = arith.constant 0 : i32
      %dma_start3A_921 = tpu.memref_slice %arg5[%add3A_916, %dma_start3A_920] : memref<104x128xi32, #tpu.memory_space<vmem>> -> memref<1x128xi32, #tpu.memory_space<vmem>>
      %dma_start3A_922 = tpu.memref_squeeze %dma_start3A_921 : memref<1x128xi32, #tpu.memory_space<vmem>> -> memref<128xi32, #tpu.memory_space<vmem>>
      %dma_start3A_923 = arith.constant 0 : i32
      %dma_start3A_924 = arith.constant 0 : i32
      %dma_start3A_925 = tpu.memref_slice %arg3[%dma_start3A_923, %dma_start3A_924] : memref<1000000x32xf32, #tpu.memory_space<hbm>> -> memref<1000000x32xf32, #tpu.memory_space<hbm>>
      tpu.enqueue_indirect_dma source(%dma_start3A_925 : memref<1000000x32xf32, #tpu.memory_space<hbm>>) target(%dma_start3A_919 : memref<128x32xf32, #tpu.memory_space<vmem>>) offsets(%dma_start3A_922 : memref<128xi32, #tpu.memory_space<vmem>>) semaphore(%arg9 : memref<!tpu.dma_semaphore, #tpu.memory_space<semaphore_mem>>)
      %mul3A_926 = arith.constant 13 : i32
      %mul3A_927 = arith.muli %add3A_865, %mul3A_926 : i32
      %add3A_928 = arith.constant 4 : i32
      %add3A_929 = arith.addi %mul3A_927, %add3A_928 : i32
      %dma_start3A_930 = arith.constant 512 : i32
      %dma_start3A_931 = arith.constant 0 : i32
      %dma_start3A_932 = tpu.memref_slice %arg7[%dma_start3A_930, %dma_start3A_931] : memref<1664x32xf32, #tpu.memory_space<vmem>> -> memref<128x32xf32, #tpu.memory_space<vmem>>
      %dma_start3A_933 = arith.constant 0 : i32
      %dma_start3A_934 = tpu.memref_slice %arg5[%add3A_929, %dma_start3A_933] : memref<104x128xi32, #tpu.memory_space<vmem>> -> memref<1x128xi32, #tpu.memory_space<vmem>>
      %dma_start3A_935 = tpu.memref_squeeze %dma_start3A_934 : memref<1x128xi32, #tpu.memory_space<vmem>> -> memref<128xi32, #tpu.memory_space<vmem>>
      %dma_start3A_936 = arith.constant 0 : i32
      %dma_start3A_937 = arith.constant 0 : i32
      %dma_start3A_938 = tpu.memref_slice %arg3[%dma_start3A_936, %dma_start3A_937] : memref<1000000x32xf32, #tpu.memory_space<hbm>> -> memref<1000000x32xf32, #tpu.memory_space<hbm>>
      tpu.enqueue_indirect_dma source(%dma_start3A_938 : memref<1000000x32xf32, #tpu.memory_space<hbm>>) target(%dma_start3A_932 : memref<128x32xf32, #tpu.memory_space<vmem>>) offsets(%dma_start3A_935 : memref<128xi32, #tpu.memory_space<vmem>>) semaphore(%arg9 : memref<!tpu.dma_semaphore, #tpu.memory_space<semaphore_mem>>)
      %mul3A_939 = arith.constant 13 : i32
      %mul3A_940 = arith.muli %add3A_865, %mul3A_939 : i32
      %add3A_941 = arith.constant 5 : i32
      %add3A_942 = arith.addi %mul3A_940, %add3A_941 : i32
      %dma_start3A_943 = arith.constant 640 : i32
      %dma_start3A_944 = arith.constant 0 : i32
      %dma_start3A_945 = tpu.memref_slice %arg7[%dma_start3A_943, %dma_start3A_944] : memref<1664x32xf32, #tpu.memory_space<vmem>> -> memref<128x32xf32, #tpu.memory_space<vmem>>
      %dma_start3A_946 = arith.constant 0 : i32
      %dma_start3A_947 = tpu.memref_slice %arg5[%add3A_942, %dma_start3A_946] : memref<104x128xi32, #tpu.memory_space<vmem>> -> memref<1x128xi32, #tpu.memory_space<vmem>>
      %dma_start3A_948 = tpu.memref_squeeze %dma_start3A_947 : memref<1x128xi32, #tpu.memory_space<vmem>> -> memref<128xi32, #tpu.memory_space<vmem>>
      %dma_start3A_949 = arith.constant 0 : i32
      %dma_start3A_950 = arith.constant 0 : i32
      %dma_start3A_951 = tpu.memref_slice %arg3[%dma_start3A_949, %dma_start3A_950] : memref<1000000x32xf32, #tpu.memory_space<hbm>> -> memref<1000000x32xf32, #tpu.memory_space<hbm>>
      tpu.enqueue_indirect_dma source(%dma_start3A_951 : memref<1000000x32xf32, #tpu.memory_space<hbm>>) target(%dma_start3A_945 : memref<128x32xf32, #tpu.memory_space<vmem>>) offsets(%dma_start3A_948 : memref<128xi32, #tpu.memory_space<vmem>>) semaphore(%arg9 : memref<!tpu.dma_semaphore, #tpu.memory_space<semaphore_mem>>)
      %mul3A_952 = arith.constant 13 : i32
      %mul3A_953 = arith.muli %add3A_865, %mul3A_952 : i32
      %add3A_954 = arith.constant 6 : i32
      %add3A_955 = arith.addi %mul3A_953, %add3A_954 : i32
      %dma_start3A_956 = arith.constant 768 : i32
      %dma_start3A_957 = arith.constant 0 : i32
      %dma_start3A_958 = tpu.memref_slice %arg7[%dma_start3A_956, %dma_start3A_957] : memref<1664x32xf32, #tpu.memory_space<vmem>> -> memref<128x32xf32, #tpu.memory_space<vmem>>
      %dma_start3A_959 = arith.constant 0 : i32
      %dma_start3A_960 = tpu.memref_slice %arg5[%add3A_955, %dma_start3A_959] : memref<104x128xi32, #tpu.memory_space<vmem>> -> memref<1x128xi32, #tpu.memory_space<vmem>>
      %dma_start3A_961 = tpu.memref_squeeze %dma_start3A_960 : memref<1x128xi32, #tpu.memory_space<vmem>> -> memref<128xi32, #tpu.memory_space<vmem>>
      %dma_start3A_962 = arith.constant 0 : i32
      %dma_start3A_963 = arith.constant 0 : i32
      %dma_start3A_964 = tpu.memref_slice %arg3[%dma_start3A_962, %dma_start3A_963] : memref<1000000x32xf32, #tpu.memory_space<hbm>> -> memref<1000000x32xf32, #tpu.memory_space<hbm>>
      tpu.enqueue_indirect_dma source(%dma_start3A_964 : memref<1000000x32xf32, #tpu.memory_space<hbm>>) target(%dma_start3A_958 : memref<128x32xf32, #tpu.memory_space<vmem>>) offsets(%dma_start3A_961 : memref<128xi32, #tpu.memory_space<vmem>>) semaphore(%arg9 : memref<!tpu.dma_semaphore, #tpu.memory_space<semaphore_mem>>)
      %mul3A_965 = arith.constant 13 : i32
      %mul3A_966 = arith.muli %add3A_865, %mul3A_965 : i32
      %add3A_967 = arith.constant 7 : i32
      %add3A_968 = arith.addi %mul3A_966, %add3A_967 : i32
      %dma_start3A_969 = arith.constant 896 : i32
      %dma_start3A_970 = arith.constant 0 : i32
      %dma_start3A_971 = tpu.memref_slice %arg7[%dma_start3A_969, %dma_start3A_970] : memref<1664x32xf32, #tpu.memory_space<vmem>> -> memref<128x32xf32, #tpu.memory_space<vmem>>
      %dma_start3A_972 = arith.constant 0 : i32
      %dma_start3A_973 = tpu.memref_slice %arg5[%add3A_968, %dma_start3A_972] : memref<104x128xi32, #tpu.memory_space<vmem>> -> memref<1x128xi32, #tpu.memory_space<vmem>>
      %dma_start3A_974 = tpu.memref_squeeze %dma_start3A_973 : memref<1x128xi32, #tpu.memory_space<vmem>> -> memref<128xi32, #tpu.memory_space<vmem>>
      %dma_start3A_975 = arith.constant 0 : i32
      %dma_start3A_976 = arith.constant 0 : i32
      %dma_start3A_977 = tpu.memref_slice %arg3[%dma_start3A_975, %dma_start3A_976] : memref<1000000x32xf32, #tpu.memory_space<hbm>> -> memref<1000000x32xf32, #tpu.memory_space<hbm>>
      tpu.enqueue_indirect_dma source(%dma_start3A_977 : memref<1000000x32xf32, #tpu.memory_space<hbm>>) target(%dma_start3A_971 : memref<128x32xf32, #tpu.memory_space<vmem>>) offsets(%dma_start3A_974 : memref<128xi32, #tpu.memory_space<vmem>>) semaphore(%arg9 : memref<!tpu.dma_semaphore, #tpu.memory_space<semaphore_mem>>)
      %mul3A_978 = arith.constant 13 : i32
      %mul3A_979 = arith.muli %add3A_865, %mul3A_978 : i32
      %add3A_980 = arith.constant 8 : i32
      %add3A_981 = arith.addi %mul3A_979, %add3A_980 : i32
      %dma_start3A_982 = arith.constant 1024 : i32
      %dma_start3A_983 = arith.constant 0 : i32
      %dma_start3A_984 = tpu.memref_slice %arg7[%dma_start3A_982, %dma_start3A_983] : memref<1664x32xf32, #tpu.memory_space<vmem>> -> memref<128x32xf32, #tpu.memory_space<vmem>>
      %dma_start3A_985 = arith.constant 0 : i32
      %dma_start3A_986 = tpu.memref_slice %arg5[%add3A_981, %dma_start3A_985] : memref<104x128xi32, #tpu.memory_space<vmem>> -> memref<1x128xi32, #tpu.memory_space<vmem>>
      %dma_start3A_987 = tpu.memref_squeeze %dma_start3A_986 : memref<1x128xi32, #tpu.memory_space<vmem>> -> memref<128xi32, #tpu.memory_space<vmem>>
      %dma_start3A_988 = arith.constant 0 : i32
      %dma_start3A_989 = arith.constant 0 : i32
      %dma_start3A_990 = tpu.memref_slice %arg3[%dma_start3A_988, %dma_start3A_989] : memref<1000000x32xf32, #tpu.memory_space<hbm>> -> memref<1000000x32xf32, #tpu.memory_space<hbm>>
      tpu.enqueue_indirect_dma source(%dma_start3A_990 : memref<1000000x32xf32, #tpu.memory_space<hbm>>) target(%dma_start3A_984 : memref<128x32xf32, #tpu.memory_space<vmem>>) offsets(%dma_start3A_987 : memref<128xi32, #tpu.memory_space<vmem>>) semaphore(%arg9 : memref<!tpu.dma_semaphore, #tpu.memory_space<semaphore_mem>>)
      %mul3A_991 = arith.constant 13 : i32
      %mul3A_992 = arith.muli %add3A_865, %mul3A_991 : i32
      %add3A_993 = arith.constant 9 : i32
      %add3A_994 = arith.addi %mul3A_992, %add3A_993 : i32
      %dma_start3A_995 = arith.constant 1152 : i32
      %dma_start3A_996 = arith.constant 0 : i32
      %dma_start3A_997 = tpu.memref_slice %arg7[%dma_start3A_995, %dma_start3A_996] : memref<1664x32xf32, #tpu.memory_space<vmem>> -> memref<128x32xf32, #tpu.memory_space<vmem>>
      %dma_start3A_998 = arith.constant 0 : i32
      %dma_start3A_999 = tpu.memref_slice %arg5[%add3A_994, %dma_start3A_998] : memref<104x128xi32, #tpu.memory_space<vmem>> -> memref<1x128xi32, #tpu.memory_space<vmem>>
      %dma_start3A_1000 = tpu.memref_squeeze %dma_start3A_999 : memref<1x128xi32, #tpu.memory_space<vmem>> -> memref<128xi32, #tpu.memory_space<vmem>>
      %dma_start3A_1001 = arith.constant 0 : i32
      %dma_start3A_1002 = arith.constant 0 : i32
      %dma_start3A_1003 = tpu.memref_slice %arg3[%dma_start3A_1001, %dma_start3A_1002] : memref<1000000x32xf32, #tpu.memory_space<hbm>> -> memref<1000000x32xf32, #tpu.memory_space<hbm>>
      tpu.enqueue_indirect_dma source(%dma_start3A_1003 : memref<1000000x32xf32, #tpu.memory_space<hbm>>) target(%dma_start3A_997 : memref<128x32xf32, #tpu.memory_space<vmem>>) offsets(%dma_start3A_1000 : memref<128xi32, #tpu.memory_space<vmem>>) semaphore(%arg9 : memref<!tpu.dma_semaphore, #tpu.memory_space<semaphore_mem>>)
      %mul3A_1004 = arith.constant 13 : i32
      %mul3A_1005 = arith.muli %add3A_865, %mul3A_1004 : i32
      %add3A_1006 = arith.constant 10 : i32
      %add3A_1007 = arith.addi %mul3A_1005, %add3A_1006 : i32
      %dma_start3A_1008 = arith.constant 1280 : i32
      %dma_start3A_1009 = arith.constant 0 : i32
      %dma_start3A_1010 = tpu.memref_slice %arg7[%dma_start3A_1008, %dma_start3A_1009] : memref<1664x32xf32, #tpu.memory_space<vmem>> -> memref<128x32xf32, #tpu.memory_space<vmem>>
      %dma_start3A_1011 = arith.constant 0 : i32
      %dma_start3A_1012 = tpu.memref_slice %arg5[%add3A_1007, %dma_start3A_1011] : memref<104x128xi32, #tpu.memory_space<vmem>> -> memref<1x128xi32, #tpu.memory_space<vmem>>
      %dma_start3A_1013 = tpu.memref_squeeze %dma_start3A_1012 : memref<1x128xi32, #tpu.memory_space<vmem>> -> memref<128xi32, #tpu.memory_space<vmem>>
      %dma_start3A_1014 = arith.constant 0 : i32
      %dma_start3A_1015 = arith.constant 0 : i32
      %dma_start3A_1016 = tpu.memref_slice %arg3[%dma_start3A_1014, %dma_start3A_1015] : memref<1000000x32xf32, #tpu.memory_space<hbm>> -> memref<1000000x32xf32, #tpu.memory_space<hbm>>
      tpu.enqueue_indirect_dma source(%dma_start3A_1016 : memref<1000000x32xf32, #tpu.memory_space<hbm>>) target(%dma_start3A_1010 : memref<128x32xf32, #tpu.memory_space<vmem>>) offsets(%dma_start3A_1013 : memref<128xi32, #tpu.memory_space<vmem>>) semaphore(%arg9 : memref<!tpu.dma_semaphore, #tpu.memory_space<semaphore_mem>>)
      %mul3A_1017 = arith.constant 13 : i32
      %mul3A_1018 = arith.muli %add3A_865, %mul3A_1017 : i32
      %add3A_1019 = arith.constant 11 : i32
      %add3A_1020 = arith.addi %mul3A_1018, %add3A_1019 : i32
      %dma_start3A_1021 = arith.constant 1408 : i32
      %dma_start3A_1022 = arith.constant 0 : i32
      %dma_start3A_1023 = tpu.memref_slice %arg7[%dma_start3A_1021, %dma_start3A_1022] : memref<1664x32xf32, #tpu.memory_space<vmem>> -> memref<128x32xf32, #tpu.memory_space<vmem>>
      %dma_start3A_1024 = arith.constant 0 : i32
      %dma_start3A_1025 = tpu.memref_slice %arg5[%add3A_1020, %dma_start3A_1024] : memref<104x128xi32, #tpu.memory_space<vmem>> -> memref<1x128xi32, #tpu.memory_space<vmem>>
      %dma_start3A_1026 = tpu.memref_squeeze %dma_start3A_1025 : memref<1x128xi32, #tpu.memory_space<vmem>> -> memref<128xi32, #tpu.memory_space<vmem>>
      %dma_start3A_1027 = arith.constant 0 : i32
      %dma_start3A_1028 = arith.constant 0 : i32
      %dma_start3A_1029 = tpu.memref_slice %arg3[%dma_start3A_1027, %dma_start3A_1028] : memref<1000000x32xf32, #tpu.memory_space<hbm>> -> memref<1000000x32xf32, #tpu.memory_space<hbm>>
      tpu.enqueue_indirect_dma source(%dma_start3A_1029 : memref<1000000x32xf32, #tpu.memory_space<hbm>>) target(%dma_start3A_1023 : memref<128x32xf32, #tpu.memory_space<vmem>>) offsets(%dma_start3A_1026 : memref<128xi32, #tpu.memory_space<vmem>>) semaphore(%arg9 : memref<!tpu.dma_semaphore, #tpu.memory_space<semaphore_mem>>)
      %mul3A_1030 = arith.constant 13 : i32
      %mul3A_1031 = arith.muli %add3A_865, %mul3A_1030 : i32
      %add3A_1032 = arith.constant 12 : i32
      %add3A_1033 = arith.addi %mul3A_1031, %add3A_1032 : i32
      %dma_start3A_1034 = arith.constant 1536 : i32
      %dma_start3A_1035 = arith.constant 0 : i32
      %dma_start3A_1036 = tpu.memref_slice %arg7[%dma_start3A_1034, %dma_start3A_1035] : memref<1664x32xf32, #tpu.memory_space<vmem>> -> memref<128x32xf32, #tpu.memory_space<vmem>>
      %dma_start3A_1037 = arith.constant 0 : i32
      %dma_start3A_1038 = tpu.memref_slice %arg5[%add3A_1033, %dma_start3A_1037] : memref<104x128xi32, #tpu.memory_space<vmem>> -> memref<1x128xi32, #tpu.memory_space<vmem>>
      %dma_start3A_1039 = tpu.memref_squeeze %dma_start3A_1038 : memref<1x128xi32, #tpu.memory_space<vmem>> -> memref<128xi32, #tpu.memory_space<vmem>>
      %dma_start3A_1040 = arith.constant 0 : i32
      %dma_start3A_1041 = arith.constant 0 : i32
      %dma_start3A_1042 = tpu.memref_slice %arg3[%dma_start3A_1040, %dma_start3A_1041] : memref<1000000x32xf32, #tpu.memory_space<hbm>> -> memref<1000000x32xf32, #tpu.memory_space<hbm>>
      tpu.enqueue_indirect_dma source(%dma_start3A_1042 : memref<1000000x32xf32, #tpu.memory_space<hbm>>) target(%dma_start3A_1036 : memref<128x32xf32, #tpu.memory_space<vmem>>) offsets(%dma_start3A_1039 : memref<128xi32, #tpu.memory_space<vmem>>) semaphore(%arg9 : memref<!tpu.dma_semaphore, #tpu.memory_space<semaphore_mem>>)
      %dma_wait3A_1043 = arith.constant 0 : i32
      %dma_wait3A_1044 = arith.constant 0 : i32
      %dma_wait3A_1045 = tpu.memref_slice %arg7[%dma_wait3A_1043, %dma_wait3A_1044] : memref<1664x32xf32, #tpu.memory_space<vmem>> -> memref<128x32xf32, #tpu.memory_space<vmem>>
      %dma_wait3A_1046 = arith.constant 0 : i32
      %dma_wait3A_1047 = tpu.memref_slice %arg5[%add3A_877, %dma_wait3A_1046] : memref<104x128xi32, #tpu.memory_space<vmem>> -> memref<1x128xi32, #tpu.memory_space<vmem>>
      %dma_wait3A_1048 = tpu.memref_squeeze %dma_wait3A_1047 : memref<1x128xi32, #tpu.memory_space<vmem>> -> memref<128xi32, #tpu.memory_space<vmem>>
      %dma_wait3A_1049 = arith.constant 0 : i32
      %dma_wait3A_1050 = arith.constant 0 : i32
      %dma_wait3A_1051 = tpu.memref_slice %arg3[%dma_wait3A_1049, %dma_wait3A_1050] : memref<1000000x32xf32, #tpu.memory_space<hbm>> -> memref<1000000x32xf32, #tpu.memory_space<hbm>>
      tpu.wait_indirect_dma semaphore(%arg9 : memref<!tpu.dma_semaphore, #tpu.memory_space<semaphore_mem>>) src(%dma_wait3A_1051 : memref<1000000x32xf32, #tpu.memory_space<hbm>>) dst(%dma_wait3A_1045 : memref<128x32xf32, #tpu.memory_space<vmem>>)
      %dma_wait3A_1052 = arith.constant 128 : i32
      %dma_wait3A_1053 = arith.constant 0 : i32
      %dma_wait3A_1054 = tpu.memref_slice %arg7[%dma_wait3A_1052, %dma_wait3A_1053] : memref<1664x32xf32, #tpu.memory_space<vmem>> -> memref<128x32xf32, #tpu.memory_space<vmem>>
      %dma_wait3A_1055 = arith.constant 0 : i32
      %dma_wait3A_1056 = tpu.memref_slice %arg5[%add3A_890, %dma_wait3A_1055] : memref<104x128xi32, #tpu.memory_space<vmem>> -> memref<1x128xi32, #tpu.memory_space<vmem>>
      %dma_wait3A_1057 = tpu.memref_squeeze %dma_wait3A_1056 : memref<1x128xi32, #tpu.memory_space<vmem>> -> memref<128xi32, #tpu.memory_space<vmem>>
      %dma_wait3A_1058 = arith.constant 0 : i32
      %dma_wait3A_1059 = arith.constant 0 : i32
      %dma_wait3A_1060 = tpu.memref_slice %arg3[%dma_wait3A_1058, %dma_wait3A_1059] : memref<1000000x32xf32, #tpu.memory_space<hbm>> -> memref<1000000x32xf32, #tpu.memory_space<hbm>>
      tpu.wait_indirect_dma semaphore(%arg9 : memref<!tpu.dma_semaphore, #tpu.memory_space<semaphore_mem>>) src(%dma_wait3A_1060 : memref<1000000x32xf32, #tpu.memory_space<hbm>>) dst(%dma_wait3A_1054 : memref<128x32xf32, #tpu.memory_space<vmem>>)
      %dma_wait3A_1061 = arith.constant 256 : i32
      %dma_wait3A_1062 = arith.constant 0 : i32
      %dma_wait3A_1063 = tpu.memref_slice %arg7[%dma_wait3A_1061, %dma_wait3A_1062] : memref<1664x32xf32, #tpu.memory_space<vmem>> -> memref<128x32xf32, #tpu.memory_space<vmem>>
      %dma_wait3A_1064 = arith.constant 0 : i32
      %dma_wait3A_1065 = tpu.memref_slice %arg5[%add3A_903, %dma_wait3A_1064] : memref<104x128xi32, #tpu.memory_space<vmem>> -> memref<1x128xi32, #tpu.memory_space<vmem>>
      %dma_wait3A_1066 = tpu.memref_squeeze %dma_wait3A_1065 : memref<1x128xi32, #tpu.memory_space<vmem>> -> memref<128xi32, #tpu.memory_space<vmem>>
      %dma_wait3A_1067 = arith.constant 0 : i32
      %dma_wait3A_1068 = arith.constant 0 : i32
      %dma_wait3A_1069 = tpu.memref_slice %arg3[%dma_wait3A_1067, %dma_wait3A_1068] : memref<1000000x32xf32, #tpu.memory_space<hbm>> -> memref<1000000x32xf32, #tpu.memory_space<hbm>>
      tpu.wait_indirect_dma semaphore(%arg9 : memref<!tpu.dma_semaphore, #tpu.memory_space<semaphore_mem>>) src(%dma_wait3A_1069 : memref<1000000x32xf32, #tpu.memory_space<hbm>>) dst(%dma_wait3A_1063 : memref<128x32xf32, #tpu.memory_space<vmem>>)
      %dma_wait3A_1070 = arith.constant 384 : i32
      %dma_wait3A_1071 = arith.constant 0 : i32
      %dma_wait3A_1072 = tpu.memref_slice %arg7[%dma_wait3A_1070, %dma_wait3A_1071] : memref<1664x32xf32, #tpu.memory_space<vmem>> -> memref<128x32xf32, #tpu.memory_space<vmem>>
      %dma_wait3A_1073 = arith.constant 0 : i32
      %dma_wait3A_1074 = tpu.memref_slice %arg5[%add3A_916, %dma_wait3A_1073] : memref<104x128xi32, #tpu.memory_space<vmem>> -> memref<1x128xi32, #tpu.memory_space<vmem>>
      %dma_wait3A_1075 = tpu.memref_squeeze %dma_wait3A_1074 : memref<1x128xi32, #tpu.memory_space<vmem>> -> memref<128xi32, #tpu.memory_space<vmem>>
      %dma_wait3A_1076 = arith.constant 0 : i32
      %dma_wait3A_1077 = arith.constant 0 : i32
      %dma_wait3A_1078 = tpu.memref_slice %arg3[%dma_wait3A_1076, %dma_wait3A_1077] : memref<1000000x32xf32, #tpu.memory_space<hbm>> -> memref<1000000x32xf32, #tpu.memory_space<hbm>>
      tpu.wait_indirect_dma semaphore(%arg9 : memref<!tpu.dma_semaphore, #tpu.memory_space<semaphore_mem>>) src(%dma_wait3A_1078 : memref<1000000x32xf32, #tpu.memory_space<hbm>>) dst(%dma_wait3A_1072 : memref<128x32xf32, #tpu.memory_space<vmem>>)
      %dma_wait3A_1079 = arith.constant 512 : i32
      %dma_wait3A_1080 = arith.constant 0 : i32
      %dma_wait3A_1081 = tpu.memref_slice %arg7[%dma_wait3A_1079, %dma_wait3A_1080] : memref<1664x32xf32, #tpu.memory_space<vmem>> -> memref<128x32xf32, #tpu.memory_space<vmem>>
      %dma_wait3A_1082 = arith.constant 0 : i32
      %dma_wait3A_1083 = tpu.memref_slice %arg5[%add3A_929, %dma_wait3A_1082] : memref<104x128xi32, #tpu.memory_space<vmem>> -> memref<1x128xi32, #tpu.memory_space<vmem>>
      %dma_wait3A_1084 = tpu.memref_squeeze %dma_wait3A_1083 : memref<1x128xi32, #tpu.memory_space<vmem>> -> memref<128xi32, #tpu.memory_space<vmem>>
      %dma_wait3A_1085 = arith.constant 0 : i32
      %dma_wait3A_1086 = arith.constant 0 : i32
      %dma_wait3A_1087 = tpu.memref_slice %arg3[%dma_wait3A_1085, %dma_wait3A_1086] : memref<1000000x32xf32, #tpu.memory_space<hbm>> -> memref<1000000x32xf32, #tpu.memory_space<hbm>>
      tpu.wait_indirect_dma semaphore(%arg9 : memref<!tpu.dma_semaphore, #tpu.memory_space<semaphore_mem>>) src(%dma_wait3A_1087 : memref<1000000x32xf32, #tpu.memory_space<hbm>>) dst(%dma_wait3A_1081 : memref<128x32xf32, #tpu.memory_space<vmem>>)
      %dma_wait3A_1088 = arith.constant 640 : i32
      %dma_wait3A_1089 = arith.constant 0 : i32
      %dma_wait3A_1090 = tpu.memref_slice %arg7[%dma_wait3A_1088, %dma_wait3A_1089] : memref<1664x32xf32, #tpu.memory_space<vmem>> -> memref<128x32xf32, #tpu.memory_space<vmem>>
      %dma_wait3A_1091 = arith.constant 0 : i32
      %dma_wait3A_1092 = tpu.memref_slice %arg5[%add3A_942, %dma_wait3A_1091] : memref<104x128xi32, #tpu.memory_space<vmem>> -> memref<1x128xi32, #tpu.memory_space<vmem>>
      %dma_wait3A_1093 = tpu.memref_squeeze %dma_wait3A_1092 : memref<1x128xi32, #tpu.memory_space<vmem>> -> memref<128xi32, #tpu.memory_space<vmem>>
      %dma_wait3A_1094 = arith.constant 0 : i32
      %dma_wait3A_1095 = arith.constant 0 : i32
      %dma_wait3A_1096 = tpu.memref_slice %arg3[%dma_wait3A_1094, %dma_wait3A_1095] : memref<1000000x32xf32, #tpu.memory_space<hbm>> -> memref<1000000x32xf32, #tpu.memory_space<hbm>>
      tpu.wait_indirect_dma semaphore(%arg9 : memref<!tpu.dma_semaphore, #tpu.memory_space<semaphore_mem>>) src(%dma_wait3A_1096 : memref<1000000x32xf32, #tpu.memory_space<hbm>>) dst(%dma_wait3A_1090 : memref<128x32xf32, #tpu.memory_space<vmem>>)
      %dma_wait3A_1097 = arith.constant 768 : i32
      %dma_wait3A_1098 = arith.constant 0 : i32
      %dma_wait3A_1099 = tpu.memref_slice %arg7[%dma_wait3A_1097, %dma_wait3A_1098] : memref<1664x32xf32, #tpu.memory_space<vmem>> -> memref<128x32xf32, #tpu.memory_space<vmem>>
      %dma_wait3A_1100 = arith.constant 0 : i32
      %dma_wait3A_1101 = tpu.memref_slice %arg5[%add3A_955, %dma_wait3A_1100] : memref<104x128xi32, #tpu.memory_space<vmem>> -> memref<1x128xi32, #tpu.memory_space<vmem>>
      %dma_wait3A_1102 = tpu.memref_squeeze %dma_wait3A_1101 : memref<1x128xi32, #tpu.memory_space<vmem>> -> memref<128xi32, #tpu.memory_space<vmem>>
      %dma_wait3A_1103 = arith.constant 0 : i32
      %dma_wait3A_1104 = arith.constant 0 : i32
      %dma_wait3A_1105 = tpu.memref_slice %arg3[%dma_wait3A_1103, %dma_wait3A_1104] : memref<1000000x32xf32, #tpu.memory_space<hbm>> -> memref<1000000x32xf32, #tpu.memory_space<hbm>>
      tpu.wait_indirect_dma semaphore(%arg9 : memref<!tpu.dma_semaphore, #tpu.memory_space<semaphore_mem>>) src(%dma_wait3A_1105 : memref<1000000x32xf32, #tpu.memory_space<hbm>>) dst(%dma_wait3A_1099 : memref<128x32xf32, #tpu.memory_space<vmem>>)
      %dma_wait3A_1106 = arith.constant 896 : i32
      %dma_wait3A_1107 = arith.constant 0 : i32
      %dma_wait3A_1108 = tpu.memref_slice %arg7[%dma_wait3A_1106, %dma_wait3A_1107] : memref<1664x32xf32, #tpu.memory_space<vmem>> -> memref<128x32xf32, #tpu.memory_space<vmem>>
      %dma_wait3A_1109 = arith.constant 0 : i32
      %dma_wait3A_1110 = tpu.memref_slice %arg5[%add3A_968, %dma_wait3A_1109] : memref<104x128xi32, #tpu.memory_space<vmem>> -> memref<1x128xi32, #tpu.memory_space<vmem>>
      %dma_wait3A_1111 = tpu.memref_squeeze %dma_wait3A_1110 : memref<1x128xi32, #tpu.memory_space<vmem>> -> memref<128xi32, #tpu.memory_space<vmem>>
      %dma_wait3A_1112 = arith.constant 0 : i32
      %dma_wait3A_1113 = arith.constant 0 : i32
      %dma_wait3A_1114 = tpu.memref_slice %arg3[%dma_wait3A_1112, %dma_wait3A_1113] : memref<1000000x32xf32, #tpu.memory_space<hbm>> -> memref<1000000x32xf32, #tpu.memory_space<hbm>>
      tpu.wait_indirect_dma semaphore(%arg9 : memref<!tpu.dma_semaphore, #tpu.memory_space<semaphore_mem>>) src(%dma_wait3A_1114 : memref<1000000x32xf32, #tpu.memory_space<hbm>>) dst(%dma_wait3A_1108 : memref<128x32xf32, #tpu.memory_space<vmem>>)
      %dma_wait3A_1115 = arith.constant 1024 : i32
      %dma_wait3A_1116 = arith.constant 0 : i32
      %dma_wait3A_1117 = tpu.memref_slice %arg7[%dma_wait3A_1115, %dma_wait3A_1116] : memref<1664x32xf32, #tpu.memory_space<vmem>> -> memref<128x32xf32, #tpu.memory_space<vmem>>
      %dma_wait3A_1118 = arith.constant 0 : i32
      %dma_wait3A_1119 = tpu.memref_slice %arg5[%add3A_981, %dma_wait3A_1118] : memref<104x128xi32, #tpu.memory_space<vmem>> -> memref<1x128xi32, #tpu.memory_space<vmem>>
      %dma_wait3A_1120 = tpu.memref_squeeze %dma_wait3A_1119 : memref<1x128xi32, #tpu.memory_space<vmem>> -> memref<128xi32, #tpu.memory_space<vmem>>
      %dma_wait3A_1121 = arith.constant 0 : i32
      %dma_wait3A_1122 = arith.constant 0 : i32
      %dma_wait3A_1123 = tpu.memref_slice %arg3[%dma_wait3A_1121, %dma_wait3A_1122] : memref<1000000x32xf32, #tpu.memory_space<hbm>> -> memref<1000000x32xf32, #tpu.memory_space<hbm>>
      tpu.wait_indirect_dma semaphore(%arg9 : memref<!tpu.dma_semaphore, #tpu.memory_space<semaphore_mem>>) src(%dma_wait3A_1123 : memref<1000000x32xf32, #tpu.memory_space<hbm>>) dst(%dma_wait3A_1117 : memref<128x32xf32, #tpu.memory_space<vmem>>)
      %dma_wait3A_1124 = arith.constant 1152 : i32
      %dma_wait3A_1125 = arith.constant 0 : i32
      %dma_wait3A_1126 = tpu.memref_slice %arg7[%dma_wait3A_1124, %dma_wait3A_1125] : memref<1664x32xf32, #tpu.memory_space<vmem>> -> memref<128x32xf32, #tpu.memory_space<vmem>>
      %dma_wait3A_1127 = arith.constant 0 : i32
      %dma_wait3A_1128 = tpu.memref_slice %arg5[%add3A_994, %dma_wait3A_1127] : memref<104x128xi32, #tpu.memory_space<vmem>> -> memref<1x128xi32, #tpu.memory_space<vmem>>
      %dma_wait3A_1129 = tpu.memref_squeeze %dma_wait3A_1128 : memref<1x128xi32, #tpu.memory_space<vmem>> -> memref<128xi32, #tpu.memory_space<vmem>>
      %dma_wait3A_1130 = arith.constant 0 : i32
      %dma_wait3A_1131 = arith.constant 0 : i32
      %dma_wait3A_1132 = tpu.memref_slice %arg3[%dma_wait3A_1130, %dma_wait3A_1131] : memref<1000000x32xf32, #tpu.memory_space<hbm>> -> memref<1000000x32xf32, #tpu.memory_space<hbm>>
      tpu.wait_indirect_dma semaphore(%arg9 : memref<!tpu.dma_semaphore, #tpu.memory_space<semaphore_mem>>) src(%dma_wait3A_1132 : memref<1000000x32xf32, #tpu.memory_space<hbm>>) dst(%dma_wait3A_1126 : memref<128x32xf32, #tpu.memory_space<vmem>>)
      %dma_wait3A_1133 = arith.constant 1280 : i32
      %dma_wait3A_1134 = arith.constant 0 : i32
      %dma_wait3A_1135 = tpu.memref_slice %arg7[%dma_wait3A_1133, %dma_wait3A_1134] : memref<1664x32xf32, #tpu.memory_space<vmem>> -> memref<128x32xf32, #tpu.memory_space<vmem>>
      %dma_wait3A_1136 = arith.constant 0 : i32
      %dma_wait3A_1137 = tpu.memref_slice %arg5[%add3A_1007, %dma_wait3A_1136] : memref<104x128xi32, #tpu.memory_space<vmem>> -> memref<1x128xi32, #tpu.memory_space<vmem>>
      %dma_wait3A_1138 = tpu.memref_squeeze %dma_wait3A_1137 : memref<1x128xi32, #tpu.memory_space<vmem>> -> memref<128xi32, #tpu.memory_space<vmem>>
      %dma_wait3A_1139 = arith.constant 0 : i32
      %dma_wait3A_1140 = arith.constant 0 : i32
      %dma_wait3A_1141 = tpu.memref_slice %arg3[%dma_wait3A_1139, %dma_wait3A_1140] : memref<1000000x32xf32, #tpu.memory_space<hbm>> -> memref<1000000x32xf32, #tpu.memory_space<hbm>>
      tpu.wait_indirect_dma semaphore(%arg9 : memref<!tpu.dma_semaphore, #tpu.memory_space<semaphore_mem>>) src(%dma_wait3A_1141 : memref<1000000x32xf32, #tpu.memory_space<hbm>>) dst(%dma_wait3A_1135 : memref<128x32xf32, #tpu.memory_space<vmem>>)
      %dma_wait3A_1142 = arith.constant 1408 : i32
      %dma_wait3A_1143 = arith.constant 0 : i32
      %dma_wait3A_1144 = tpu.memref_slice %arg7[%dma_wait3A_1142, %dma_wait3A_1143] : memref<1664x32xf32, #tpu.memory_space<vmem>> -> memref<128x32xf32, #tpu.memory_space<vmem>>
      %dma_wait3A_1145 = arith.constant 0 : i32
      %dma_wait3A_1146 = tpu.memref_slice %arg5[%add3A_1020, %dma_wait3A_1145] : memref<104x128xi32, #tpu.memory_space<vmem>> -> memref<1x128xi32, #tpu.memory_space<vmem>>
      %dma_wait3A_1147 = tpu.memref_squeeze %dma_wait3A_1146 : memref<1x128xi32, #tpu.memory_space<vmem>> -> memref<128xi32, #tpu.memory_space<vmem>>
      %dma_wait3A_1148 = arith.constant 0 : i32
      %dma_wait3A_1149 = arith.constant 0 : i32
      %dma_wait3A_1150 = tpu.memref_slice %arg3[%dma_wait3A_1148, %dma_wait3A_1149] : memref<1000000x32xf32, #tpu.memory_space<hbm>> -> memref<1000000x32xf32, #tpu.memory_space<hbm>>
      tpu.wait_indirect_dma semaphore(%arg9 : memref<!tpu.dma_semaphore, #tpu.memory_space<semaphore_mem>>) src(%dma_wait3A_1150 : memref<1000000x32xf32, #tpu.memory_space<hbm>>) dst(%dma_wait3A_1144 : memref<128x32xf32, #tpu.memory_space<vmem>>)
      %dma_wait3A_1151 = arith.constant 1536 : i32
      %dma_wait3A_1152 = arith.constant 0 : i32
      %dma_wait3A_1153 = tpu.memref_slice %arg7[%dma_wait3A_1151, %dma_wait3A_1152] : memref<1664x32xf32, #tpu.memory_space<vmem>> -> memref<128x32xf32, #tpu.memory_space<vmem>>
      %dma_wait3A_1154 = arith.constant 0 : i32
      %dma_wait3A_1155 = tpu.memref_slice %arg5[%add3A_1033, %dma_wait3A_1154] : memref<104x128xi32, #tpu.memory_space<vmem>> -> memref<1x128xi32, #tpu.memory_space<vmem>>
      %dma_wait3A_1156 = tpu.memref_squeeze %dma_wait3A_1155 : memref<1x128xi32, #tpu.memory_space<vmem>> -> memref<128xi32, #tpu.memory_space<vmem>>
      %dma_wait3A_1157 = arith.constant 0 : i32
      %dma_wait3A_1158 = arith.constant 0 : i32
      %dma_wait3A_1159 = tpu.memref_slice %arg3[%dma_wait3A_1157, %dma_wait3A_1158] : memref<1000000x32xf32, #tpu.memory_space<hbm>> -> memref<1000000x32xf32, #tpu.memory_space<hbm>>
      tpu.wait_indirect_dma semaphore(%arg9 : memref<!tpu.dma_semaphore, #tpu.memory_space<semaphore_mem>>) src(%dma_wait3A_1159 : memref<1000000x32xf32, #tpu.memory_space<hbm>>) dst(%dma_wait3A_1153 : memref<128x32xf32, #tpu.memory_space<vmem>>)
      %mul3A_1160 = arith.constant 1664 : i32
      %mul3A_1161 = arith.muli %add3A_865, %mul3A_1160 : i32
      %dma_start3A_1162 = arith.constant 0 : i32
      %dma_start3A_1163 = tpu.memref_slice %arg4[%add3A, %mul3A_1161, %dma_start3A_1162] : memref<32x13312x32xf32, #tpu.memory_space<hbm>> -> memref<1x1664x32xf32, #tpu.memory_space<hbm>>
      %dma_start3A_1164 = tpu.memref_squeeze %dma_start3A_1163 : memref<1x1664x32xf32, #tpu.memory_space<hbm>> -> memref<1664x32xf32, #tpu.memory_space<hbm>>
      %dma_start3A_1165 = arith.constant 0 : i32
      %dma_start3A_1166 = tpu.memref_slice %arg4[%add3A, %mul3A_1161, %dma_start3A_1165] : memref<32x13312x32xf32, #tpu.memory_space<hbm>> -> memref<1x1664x32xf32, #tpu.memory_space<hbm>>
      %dma_start3A_1167 = tpu.memref_squeeze %dma_start3A_1166 : memref<1x1664x32xf32, #tpu.memory_space<hbm>> -> memref<1664x32xf32, #tpu.memory_space<hbm>>
      tpu.enqueue_dma source(%arg7 : memref<1664x32xf32, #tpu.memory_space<vmem>>) target(%dma_start3A_1167 : memref<1664x32xf32, #tpu.memory_space<hbm>>) target_semaphore(%arg11 : memref<!tpu.dma_semaphore, #tpu.memory_space<semaphore_mem>>)
    }
    %scan3A_538 = arith.constant 3 : i32
    %dma_wait3A_539 = arith.constant 0 : i32
    %dma_wait3A_540 = arith.constant 0 : i32
    %dma_wait3A_541 = tpu.memref_slice %arg4[%add3A, %dma_wait3A_539, %dma_wait3A_540] : memref<32x13312x32xf32, #tpu.memory_space<hbm>> -> memref<1x1664x32xf32, #tpu.memory_space<hbm>>
    %dma_wait3A_542 = tpu.memref_squeeze %dma_wait3A_541 : memref<1x1664x32xf32, #tpu.memory_space<hbm>> -> memref<1664x32xf32, #tpu.memory_space<hbm>>
    %dma_wait3A_543 = arith.constant 0 : i32
    %dma_wait3A_544 = arith.constant 0 : i32
    %dma_wait3A_545 = tpu.memref_slice %arg4[%add3A, %dma_wait3A_543, %dma_wait3A_544] : memref<32x13312x32xf32, #tpu.memory_space<hbm>> -> memref<1x1664x32xf32, #tpu.memory_space<hbm>>
    %dma_wait3A_546 = tpu.memref_squeeze %dma_wait3A_545 : memref<1x1664x32xf32, #tpu.memory_space<hbm>> -> memref<1664x32xf32, #tpu.memory_space<hbm>>
    tpu.wait_dma2 semaphore(%arg10 : memref<!tpu.dma_semaphore, #tpu.memory_space<semaphore_mem>>) src(%arg6 : memref<1664x32xf32, #tpu.memory_space<vmem>>) dst(%dma_wait3A_546 : memref<1664x32xf32, #tpu.memory_space<hbm>>)
    %dma_wait3A_547 = arith.constant 0 : i32
    %dma_wait3A_548 = arith.constant 0 : i32
    %dma_wait3A_549 = tpu.memref_slice %arg4[%add3A, %dma_wait3A_547, %dma_wait3A_548] : memref<32x13312x32xf32, #tpu.memory_space<hbm>> -> memref<1x1664x32xf32, #tpu.memory_space<hbm>>
    %dma_wait3A_550 = tpu.memref_squeeze %dma_wait3A_549 : memref<1x1664x32xf32, #tpu.memory_space<hbm>> -> memref<1664x32xf32, #tpu.memory_space<hbm>>
    %dma_wait3A_551 = arith.constant 0 : i32
    %dma_wait3A_552 = arith.constant 0 : i32
    %dma_wait3A_553 = tpu.memref_slice %arg4[%add3A, %dma_wait3A_551, %dma_wait3A_552] : memref<32x13312x32xf32, #tpu.memory_space<hbm>> -> memref<1x1664x32xf32, #tpu.memory_space<hbm>>
    %dma_wait3A_554 = tpu.memref_squeeze %dma_wait3A_553 : memref<1x1664x32xf32, #tpu.memory_space<hbm>> -> memref<1664x32xf32, #tpu.memory_space<hbm>>
    tpu.wait_dma2 semaphore(%arg11 : memref<!tpu.dma_semaphore, #tpu.memory_space<semaphore_mem>>) src(%arg7 : memref<1664x32xf32, #tpu.memory_space<vmem>>) dst(%dma_wait3A_554 : memref<1664x32xf32, #tpu.memory_space<hbm>>)
    return
  }
}

</mosaic_0001>

<sc_bundles>
// kernel: kernel.3.cloned.1.call-start
scs
__scs_entry_jumppad:
0x0: {  	(pc) =	sbr.rel $0x88, $3  }
0x1: {  	(tag) =	ssettag $0x0;
	lr =	simm.s32 $0x1  }
0x2: {  	[smem:$0x3F9F] =	sst lr;
	_ =	strace $0xD0000000  }
0x3: {  	_ = 	snop  }
0x4: {  	_ = 	snop  }
0x5: {  	_ = 	snop  }
0x6: {  	_ = 	snop  }
0x7: {  	_ = 	snop  }
__scs_overlays_trampoline_lowered:
0x8: {  	[smem:$0x3FAE] =	sst s0  }
0x9: {  	[smem:$0x3FAF] =	sst s1  }
0xa: {  	[smem:$0x3FB0] =	sst s2  }
0xb: {  	[smem:$0x3FB1] =	sst s3  }
0xc: {  	[smem:$0x3FB2] =	sst s4  }
0xd: {  	[smem:$0x3FB3] =	sst s5  }
0xe: {  	[smem:$0x3FB4] =	sst s6  }
0xf: {  	[smem:$0x3FB5] =	sst s7  }
0x10: {  	[smem:$0x3FB6] =	sst s8  }
0x11: {  	[smem:$0x3FB7] =	sst s9;
	s0 =	simm.s32 @!p0 $0x0  }
0x12: {  	s1 =	sld [smem:$0x3F9D];
	s0 =	simm.s32 @p0 $0x1  }
0x13: {  	[smem:$0x3FB8] =	sst s0;
	s0 =	simm.s32 @!p1 $0x0  }
0x14: {  	s2 =	sld [smem:$0x3F9C];
	s0 =	simm.s32 @p1 $0x1  }
0x15: {  	[smem:$0x3FB9] =	sst s0;
	s0 =	simm.s32 @!p2 $0x0  }
0x16: {  	s3 =	sld [smem:$0x3FDB];
	s0 =	simm.s32 @p2 $0x1  }
0x17: {  	s4 =	simm.s32 $0x1BF5;
	[smem:$0x3FBB] =	sst s0  }
0x18: {  	s0 =	sld [smem:$0x3F9E];
	_ =	swait.ge [sflag:s4], $0x0  }
0x19: {  	s7 =	sld [smem:$0x3F9F]  }
0x1a: {  	s8 =	sadd.s32 $0xFFFFE003, lr  }
0x1b: {  	s9 =	sadd.s32 $0xFFFFFEF7, lr;
	s5 =	simm.s32 $0xFFFFFFFF;
	p2 =	slt.u32 s8, $0xFFFFF086  }
0x1c: {  	p1 =	slt.u32 s9, $0xF7A;
	s5 =	simm.s32 @!p2 $0x0  }
0x1d: {  	s5 =	simm.s32 @p1 $0x1;
	p0 =	seq.s32 s7, s2  }
0x1e: {  	s7 =	smul.u32 @!p0 $0xF7A, s2;
	p2 =	seq.s32 @!p0 s5, $0x0  }
0x1f: {  	s9 =	smul.u32 $0xF7A, s1;
	s8 =	simm.s32 @!p0 $0x1BF5;
	p2 =	por !p2, p0  }
0x20: {  	[sflag:s8] =	ssyncset.s32 @!p0 $0xFFFFF086;
	s6 =	sadd.s32 @!p0 s3, s7;
	s7 =	simm.s32 @!p0 $0x108  }
0x21: {  	s3 =	sadd.s32 s3, s9;
	s6 =	sadd.s32 @!p0 $0x88, s6;
	s7 =	simm.s32 @p2 $0x1082  }
0x22: {  	[simem:s7], [sflag:s8] =	dma.local @!p0 [hbm:s6], $0xF7A  }
0x23: {  	s9 =	sor.u32 $0xD0000000, s2;
	s6 =	simm.s32 $0x108;
	_ =	swait.ge @!p0 [sflag:s8], $0x0  }
0x24: {  	s3 =	sadd.s32 $0x88, s3;
	s6 =	simm.s32 @!p1 $0x1082;
	[sflag:s4] =	ssyncset.s32 $0xFFFFF086  }
0x25: {  	[simem:s6], [sflag:s4] =	dma.local [hbm:s3], $0xF7A  }
0x26: {  	[smem:$0x3F9F] =	sst s1;
	(tag) =	ssettag s2;
	_ =	strace s9  }
0x27: {  	s1 =	sld [smem:$0x3FAF]  }
0x28: {  	s2 =	sld [smem:$0x3FB0]  }
0x29: {  	s4 =	sld [smem:$0x3FB2]  }
0x2a: {  	p0 =	seq.s32 s5, $0x0;
	s5 =	sld [smem:$0x3FB3]  }
0x2b: {  	s6 =	sld [smem:$0x3FB4]  }
0x2c: {  	s7 =	sld [smem:$0x3FB5]  }
0x2d: {  	s3 =	simm.s32 $0x108;
	s8 =	sld [smem:$0x3FB6]  }
0x2e: {  	s3 =	simm.s32 @!p0 $0x1082;
	s9 =	sld [smem:$0x3FB7]  }
0x2f: {  	lr =	sadd.s32 s0, s3;
	s0 =	sld [smem:$0x3FAE]  }
0x30: {  	s3 =	sld [smem:$0x3FB1]  }
0x31: {  	[smem:$0x3FBA] =	sst s10  }
0x32: {  	s10 =	sld [smem:$0x3FB8];
	_ =	sdelay $0x3  }
0x33: {  	p0 =	seq.s32 s10, $0x1;
	s10 =	sld [smem:$0x3FBA];
	_ =	sdelay $0x3  }
0x34: {  	[smem:$0x3FBA] =	sst s10  }
0x35: {  	s10 =	sld [smem:$0x3FB9];
	_ =	sdelay $0x3  }
0x36: {  	p1 =	seq.s32 s10, $0x1;
	s10 =	sld [smem:$0x3FBA];
	_ =	sdelay $0x3  }
0x37: {  	[smem:$0x3FBA] =	sst s10  }
0x38: {  	s10 =	sld [smem:$0x3FBB]  }
0x39: {  	_ = 	snop;
	(pc) =	sbr.ind lr, $3  }
0x3a: {  	_ = 	snop  }
0x3b: {  	_ = 	snop  }
0x3c: {  	p2 =	seq.s32 s10, $0x1;
	s10 =	sld [smem:$0x3FBA]  }
0x3d: {  	_ =	shalt  }
0x3e: {  	_ =	shalt  }
0x3f: {  	_ =	shalt  }
0x40: {  	_ =	shalt  }
0x41: {  	_ =	shalt  }
0x42: {  	_ =	shalt  }
0x43: {  	_ =	shalt  }
0x44: {  	_ =	shalt  }
0x45: {  	_ =	shalt  }
0x46: {  	_ =	shalt  }
0x47: {  	_ =	shalt  }
0x48: {  	_ =	shalt  }
0x49: {  	_ =	shalt  }
0x4a: {  	_ =	shalt  }
0x4b: {  	_ =	shalt  }
0x4c: {  	_ =	shalt  }
0x4d: {  	_ =	shalt  }
0x4e: {  	_ =	shalt  }
0x4f: {  	_ =	shalt  }
0x50: {  	_ =	shalt  }
0x51: {  	_ =	shalt  }
0x52: {  	_ =	shalt  }
0x53: {  	_ =	shalt  }
0x54: {  	_ =	shalt  }
0x55: {  	_ =	shalt  }
0x56: {  	_ =	shalt  }
0x57: {  	_ =	shalt  }
0x58: {  	_ =	shalt  }
0x59: {  	_ =	shalt  }
0x5a: {  	_ =	shalt  }
0x5b: {  	_ =	shalt  }
0x5c: {  	_ =	shalt  }
0x5d: {  	_ =	shalt  }
0x5e: {  	_ =	shalt  }
0x5f: {  	_ =	shalt  }
0x60: {  	_ =	shalt  }
0x61: {  	_ =	shalt  }
0x62: {  	_ =	shalt  }
0x63: {  	_ =	shalt  }
0x64: {  	_ =	shalt  }
0x65: {  	_ =	shalt  }
0x66: {  	_ =	shalt  }
0x67: {  	_ =	shalt  }
0x68: {  	_ =	shalt  }
0x69: {  	_ =	shalt  }
0x6a: {  	_ =	shalt  }
0x6b: {  	_ =	shalt  }
0x6c: {  	_ =	shalt  }
0x6d: {  	_ =	shalt  }
0x6e: {  	_ =	shalt  }
0x6f: {  	_ =	shalt  }
0x70: {  	_ =	shalt  }
0x71: {  	_ =	shalt  }
0x72: {  	_ =	shalt  }
0x73: {  	_ =	shalt  }
0x74: {  	_ =	shalt  }
0x75: {  	_ =	shalt  }
0x76: {  	_ =	shalt  }
0x77: {  	_ =	shalt  }
0x78: {  	_ =	shalt  }
0x79: {  	_ =	shalt  }
0x7a: {  	_ =	shalt  }
0x7b: {  	_ =	shalt  }
0x7c: {  	_ =	shalt  }
0x7d: {  	_ =	shalt  }
0x7e: {  	_ =	shalt  }
0x7f: {  	_ =	shalt  }
0x80: {  	_ =	shalt  }
0x81: {  	_ =	shalt  }
0x82: {  	_ =	shalt  }
0x83: {  	_ =	shalt  }
0x84: {  	_ =	shalt  }
0x85: {  	_ =	shalt  }
0x86: {  	_ =	shalt  }
0x87: {  	_ =	shalt  }
.Lfunc_end0:
.L_simem_size_0:
called_computation.1_lowered:
.L_overlay_start_0:
0x88: {  	s2 =	sld [smem:$0x3FD9]  }
0x89: {  	s3 =	sld [smem:$0x3FFE];
	_ =	sdelay $0x1  }
0x8a: {  	s1 =	srdreg.scid  }
0x8b: {  	s0 =	sand.u32 $0x1, s1  }
0x8c: {  	s17 =	sshll.u32 s0, $0xA;
	s2 =	sadd.s32 s3, s2  }
0x8d: {  	s2 =	sadd.s32 s2, s17  }
0x8e: {  	[smem:$0x3FC6] =	sst s2  }
0x8f: {  	_ = 	snop  }
0x90: {  	s2 =	sld [smem:$0x3FD0];
	(tm) =	ssettm $0x1  }
0x91: {  	s18 =	sld [smem:$0x3FFB];
	_ =	sdelay $0x3  }
0x92: {  	_ =	strace s18  }
0x93: {  	s3 =	sld [smem:$0x3FFC];
	_ =	sdelay $0x3  }
0x94: {  	_ =	strace s3  }
0x95: {  	s3 =	sld [smem:$0x3FFD];
	_ =	sdelay $0x3  }
0x96: {  	_ =	strace s3  }
0x97: {  	_ =	strace $0x8FFFFFFF  }
0x98: {  	s19 =	sld [smem:$0x3FDB];
	_ =	sdelay $0x1  }
0x99: {  	s4 =	simm.s32 $_scs_section_size  }
0x9a: {  	s5 =	simm.s32 $_size__tile_overlayer_lowered;
	s6 =	simm.s32 $_tile_overlayer_lowered  }
0x9b: {  	s22 =	simm.s32 $0x1BFF;
	s21 =	sshll.u32 s6, $0x1;
	s3 =	sadd.s32 s4, s19  }
0x9c: {  	s7 =	simm.s32 $0x0;
	s20 =	sshll.u32 s5, $0x1;
	s5 =	sadd.s32 s21, s3  }
0x9d: {  	[timem:s7], [sflag:s22] =	dma.local [hbm:s5], s20  }
0x9e: {  	_ =	swait.ge [sflag:s22], s20  }
0x9f: {  	s4 =	ssub.s32 $0x0, s20;
	[sflag:s22] =	ssyncset.done $0x0  }
0xa0: {  	[sflag:s22] =	ssyncadd.s32 s4;
	_ =	sdelay $0x1  }
0xa1: {  	s23 =	simm.s32 $0x1B8B  }
0xa2: {  	_ =	swait.ge [sflag:s23], $0x1  }
0xa3: {  	[sflag:s23] =	ssyncset.done $0x0  }
0xa4: {  	s25 =	simm.s32 $0x1B8E;
	s24 =	sld [smem:$0x3FFE];
	[sflag:s23] =	ssyncadd.s32 $0xFFFFFFFF  }
0xa5: {  	s26 =	simm.s32 $execute0_lowered;
	[smem:$0x3FD2] =	sst s25  }
0xa6: {  	s5 =	sshll.u32 s26, $0x1;
	_ =	strace $0x80000046;
	[dreg:$0x1] =	wrdreg $0xFFFFFFFF  }
0xa7: {  	s28 =	simm.s32 $_size_execute0_lowered;
	s3 =	sadd.s32 s3, s5;
	[dreg:$0x0] =	wrdreg $0x0  }
0xa8: {  	s5 =	sshll.u32 s28, $0x1;
	[dreg:$0x2] =	wrdreg s3  }
0xa9: {  	[dreg:$0x3] =	wrdreg s5  }
0xaa: {  	[dreg:$0x4] =	wrdreg $0xC0  }
0xab: {  	_ =	task [dreg:s7], $0x5FFFF  }
0xac: {  	[dreg:$0x1] =	wrdreg $0xFFFFFFFF  }
0xad: {  	[dreg:$0x0] =	wrdreg $0x60  }
0xae: {  	[dreg:$0x2] =	wrdreg s24  }
0xaf: {  	[dreg:$0x3] =	wrdreg s2  }
0xb0: {  	[dreg:$0x4] =	wrdreg $0x9  }
0xb1: {  	_ =	task.clear_ibuf [dreg:s7], $0x5FFFF;
	_ =	strace $0x90000046  }
0xb2: {  	s29 =	simm.s32 $0x9;
	_ =	strace $0x80000048  }
0xb3: {  	_ =	swait.ge [sflag:s29], $0x1  }
0xb4: {  	[sflag:s29] =	ssyncadd.s32 $0xFFFFFFFF  }
0xb5: {  	_ =	strace $0x90000048  }
0xb6: {  	_ =	sfence  }
0xb7: {  	s30 =	sld [smem:$0x0];
	_ =	sdelay $0x2  }
0xb8: {  	s31 =	sshll.u32 s1, $0xD;
	s1 =	sshrl.u32 s1, $0x2  }
0xb9: {  	s3 =	sand.u32 $0x4000, s31;
	s1 =	sadd.s32 s1, s30  }
0xba: {  	s0 =	sor.u32 s3, s0;
	s1 =	sshll.u32 s1, $0x11  }
0xbb: {  	s0 =	sor.u32 s1, s0  }
0xbc: {  	s0 =	sadd.s32 $0x8F2B, s0  }
0xbd: {  	[sflag:s0] =	ssyncadd.remote.s32 $0x1  }
0xbe: {  	_ =	sfence.sel $0xFFFF  }
0xbf: {  	[dreg:$0x0] =	wrdreg $0xFFFFFFFF;
	(pc) =	sbr.abs _section_cstart, $3  }
0xc0: {  	[dreg:$0x1] =	wrdreg $0xFFFFFFFF  }
0xc1: {  	_ =	task.clear_ibuf [dreg:s7], $0x2FFFF;
	_ =	strace $0x9FFFFFFF  }
0xc2: {  	(tm) =	ssettm $0x7FFFFFFF  }
0xc3: {  	_ =	shalt  }
tec
execute0_lowered:
.L_overlay_start_1:
0x0: {  	(tag) =	ssettag $0x1  }
0x1: {  	s0 =	srdreg.scid;
	s2 =	rddreg [dreg:$0x0]  }
0x2: {  	s5 =	stileid.u32;
	s19 =	rddreg [dreg:$0x1]  }
0x3: {  	s3 =	simm.s32 $0x0;
	s11 =	simm.s32 $0x80;
	s12 =	simm.s32 $0x3400  }
0x4: {  	s14 =	simm.s32 $0x6400;
	s18 =	simm.s32 $0x7400;
	s16 =	simm.s32 $0xD400  }
0x5: {  	s20 =	simm.s32 $0x1;
	s8 =	simm.s32 $0x11400;
	s10 =	simm.s32 $0x13400  }
0x6: {  	s9 =	simm.s32 $0x14400;
	s28 =	simm.s32 $0x15400;
	s30 =	simm.s32 $0x16400  }
0x7: {  	s31 =	simm.s32 $0x17400;
	s29 =	simm.s32 $0x18400;
	s13 =	simm.s32 $0x3  }
0x8: {  	s15 =	simm.s32 $0x4;
	s17 =	simm.s32 $0x0;
	s0 =	sand.u32 $0x1, s0  }
0x9: {  	s1 =	sshll.u32 s5, $0x1;
	s5 =	smul.u32 $0xD0000, s5;
	[smem:$0x7FF] =	sst s3  }
0xa: {  	s1 =	sor.u32 s0, s1;
	s6 =	smul.u32 $0x68000, s0;
	_ =	strace $0x80000047  }
0xb: {  	s0 =	ssub.s32 $0x2, s0;
	[dreg:$0x9] =	wrdreg s17;
	s4 =	smul.u32 $0x680, s1  }
0xc: {  	s1 =	smul.u32 $0x68000, s1;
	s22 =	sshrl.u32 s0, $0x1;
	s21 =	sadd.s32 s6, s5  }
0xd: {  	s0 =	ssub.s32 s0, s22;
	s22 =	simm.s32 $0xA400;
	s7 =	sadd.s32 s4, s2  }
0xe: {  	s4 =	sadd.s32 $0xF42E00, s2;
	s1 =	sshrl.u32 s1, $0x3;
	s6 =	sadd.s32 $0x27000, s21  }
0xf: {  	s0 =	smax.u32 s0, $0x1;
	s26 =	sadd.s32 $0x1A000, s21;
	s21 =	simm.s32 $0x4400  }
0x10: {  	s2 =	simm.s32 $0x2;
	s23 =	sadd.s32 s19, s1;
	[dreg:$0x7] =	wrdreg s0  }
0x11: {  	s24 =	sshrl.u32 s6, $0x3;
	s25 =	sadd.s32 $0xA00, s7;
	[dreg:$0x8] =	wrdreg s26  }
0x12: {  	s0 =	simm.s32 $0x9400;
	s26 =	simm.s32 $0xC400;
	[dreg:$0x5] =	wrdreg s25  }
0x13: {  	s6 =	simm.s32 $0xE400;
	s7 =	simm.s32 $0xF400;
	[dreg:$0x4] =	wrdreg s23  }
0x14: {  	s5 =	sadd.s32 $0x1A00, s23;
	s1 =	sadd.s32 s24, s19;
	s23 =	simm.s32 $0x8400  }
0x15: {  	s25 =	simm.s32 $0xB400;
	s24 =	simm.s32 $0x10400;
	[dreg:$0x6] =	wrdreg s5  }
0x16: {  	[dreg:$0x3] =	wrdreg s1;
	s1 =	simm.s32 $0x5400;
	s5 =	simm.s32 $0x12400  }
.LBB2_1:
0x17: {  	s17 =	rddreg [dreg:$0x5]  }
0x18: {  	[tilespmem:s3], [sflag:$0x5] =	stream.linear.gather [hbm4b:s17+s3], $0x3400, $0x38;
	[tilespmem:$0x1D400] =	vst v63  }
0x19: {  	s17 =	simm.s32 $0x5  }
0x1a: {  	_ =	swait.ge [sflag:s17], $0x3400  }
0x1b: {  	[sflag:s17] =	ssyncset.done $0x0  }
0x1c: {  	[sflag:s17] =	ssyncadd.s32 $0xFFFFCC00  }
0x1d: {  	[tilespmem:s12], [sflag:$0x1] =	stream.indirect.gather [hbm4b:s4+s11], $0x20, s3, s11, $0xb8;
	[tilespmem:$0x1D400] =	vst v63  }
0x1e: {  	_ = 	snop  }
0x1f: {  	[tilespmem:s21], [sflag:$0x1] =	stream.indirect.gather [hbm4b:s4+s11], $0x20, s11, s11, $0xb8;
	[tilespmem:$0x1D400] =	vst v63  }
0x20: {  	s17 =	simm.s32 $0x100  }
0x21: {  	[tilespmem:s1], [sflag:$0x1] =	stream.indirect.gather [hbm4b:s4+s11], $0x20, s17, s11, $0xb8;
	[tilespmem:$0x1D400] =	vst v63  }
0x22: {  	s17 =	simm.s32 $0x180  }
0x23: {  	[tilespmem:s14], [sflag:$0x1] =	stream.indirect.gather [hbm4b:s4+s11], $0x20, s17, s11, $0xb8;
	[tilespmem:$0x1D400] =	vst v63  }
0x24: {  	s17 =	simm.s32 $0x200  }
0x25: {  	[tilespmem:s18], [sflag:$0x1] =	stream.indirect.gather [hbm4b:s4+s11], $0x20, s17, s11, $0xb8;
	[tilespmem:$0x1D400] =	vst v63  }
0x26: {  	s17 =	simm.s32 $0x280  }
0x27: {  	[tilespmem:s23], [sflag:$0x1] =	stream.indirect.gather [hbm4b:s4+s11], $0x20, s17, s11, $0xb8;
	[tilespmem:$0x1D400] =	vst v63  }
0x28: {  	s17 =	simm.s32 $0x300  }
0x29: {  	[tilespmem:s0], [sflag:$0x1] =	stream.indirect.gather [hbm4b:s4+s11], $0x20, s17, s11, $0xb8;
	[tilespmem:$0x1D400] =	vst v63  }
0x2a: {  	s17 =	simm.s32 $0x380  }
0x2b: {  	[tilespmem:s22], [sflag:$0x1] =	stream.indirect.gather [hbm4b:s4+s11], $0x20, s17, s11, $0xb8;
	[tilespmem:$0x1D400] =	vst v63  }
0x2c: {  	s17 =	simm.s32 $0x400  }
0x2d: {  	[tilespmem:s25], [sflag:$0x1] =	stream.indirect.gather [hbm4b:s4+s11], $0x20, s17, s11, $0xb8;
	[tilespmem:$0x1D400] =	vst v63  }
0x2e: {  	s17 =	simm.s32 $0x480  }
0x2f: {  	[tilespmem:s26], [sflag:$0x1] =	stream.indirect.gather [hbm4b:s4+s11], $0x20, s17, s11, $0xb8;
	[tilespmem:$0x1D400] =	vst v63  }
0x30: {  	s17 =	simm.s32 $0x500  }
0x31: {  	[tilespmem:s16], [sflag:$0x1] =	stream.indirect.gather [hbm4b:s4+s11], $0x20, s17, s11, $0xb8;
	[tilespmem:$0x1D400] =	vst v63  }
0x32: {  	s17 =	simm.s32 $0x580  }
0x33: {  	[tilespmem:s6], [sflag:$0x1] =	stream.indirect.gather [hbm4b:s4+s11], $0x20, s17, s11, $0xb8;
	[tilespmem:$0x1D400] =	vst v63  }
0x34: {  	s17 =	simm.s32 $0x600  }
0x35: {  	[tilespmem:s7], [sflag:$0x1] =	stream.indirect.gather [hbm4b:s4+s11], $0x20, s17, s11, $0xb8;
	[tilespmem:$0x1D400] =	vst v63  }
0x36: {  	_ =	swait.ge [sflag:s20], $0x1000  }
0x37: {  	[sflag:s20] =	ssyncset.done $0x0  }
0x38: {  	[sflag:s20] =	ssyncadd.s32 $0xFFFFF000  }
0x39: {  	_ =	swait.ge [sflag:s20], $0x1000  }
0x3a: {  	[sflag:s20] =	ssyncset.done $0x0  }
0x3b: {  	[sflag:s20] =	ssyncadd.s32 $0xFFFFF000  }
0x3c: {  	_ =	swait.ge [sflag:s20], $0x1000  }
0x3d: {  	[sflag:s20] =	ssyncset.done $0x0  }
0x3e: {  	[sflag:s20] =	ssyncadd.s32 $0xFFFFF000  }
0x3f: {  	_ =	swait.ge [sflag:s20], $0x1000  }
0x40: {  	[sflag:s20] =	ssyncset.done $0x0  }
0x41: {  	[sflag:s20] =	ssyncadd.s32 $0xFFFFF000  }
0x42: {  	_ =	swait.ge [sflag:s20], $0x1000  }
0x43: {  	[sflag:s20] =	ssyncset.done $0x0  }
0x44: {  	[sflag:s20] =	ssyncadd.s32 $0xFFFFF000  }
0x45: {  	_ =	swait.ge [sflag:s20], $0x1000  }
0x46: {  	[sflag:s20] =	ssyncset.done $0x0  }
0x47: {  	[sflag:s20] =	ssyncadd.s32 $0xFFFFF000  }
0x48: {  	_ =	swait.ge [sflag:s20], $0x1000  }
0x49: {  	[sflag:s20] =	ssyncset.done $0x0  }
0x4a: {  	[sflag:s20] =	ssyncadd.s32 $0xFFFFF000  }
0x4b: {  	_ =	swait.ge [sflag:s20], $0x1000  }
0x4c: {  	[sflag:s20] =	ssyncset.done $0x0  }
0x4d: {  	[sflag:s20] =	ssyncadd.s32 $0xFFFFF000  }
0x4e: {  	_ =	swait.ge [sflag:s20], $0x1000  }
0x4f: {  	[sflag:s20] =	ssyncset.done $0x0  }
0x50: {  	[sflag:s20] =	ssyncadd.s32 $0xFFFFF000  }
0x51: {  	_ =	swait.ge [sflag:s20], $0x1000  }
0x52: {  	[sflag:s20] =	ssyncset.done $0x0  }
0x53: {  	[sflag:s20] =	ssyncadd.s32 $0xFFFFF000  }
0x54: {  	_ =	swait.ge [sflag:s20], $0x1000  }
0x55: {  	[sflag:s20] =	ssyncset.done $0x0  }
0x56: {  	[sflag:s20] =	ssyncadd.s32 $0xFFFFF000  }
0x57: {  	_ =	swait.ge [sflag:s20], $0x1000  }
0x58: {  	[sflag:s20] =	ssyncset.done $0x0  }
0x59: {  	[sflag:s20] =	ssyncadd.s32 $0xFFFFF000  }
0x5a: {  	_ =	swait.ge [sflag:s20], $0x1000  }
0x5b: {  	[sflag:s20] =	ssyncset.done $0x0  }
0x5c: {  	s17 =	rddreg [dreg:$0x4];
	[sflag:s20] =	ssyncadd.s32 $0xFFFFF000  }
0x5d: {  	[hbm4b:s17+s3] =	stream.linear.scatter [tilespmem:s12], [sflag:$0x3], $0xD000, $0x38;
	[tilespmem:$0x1D400] =	vst v63  }
0x5e: {  	s17 =	simm.s32 $0x680  }
0x5f: {  	[tilespmem:s24], [sflag:$0x2] =	stream.indirect.gather [hbm4b:s4+s11], $0x20, s17, s11, $0xb8;
	[tilespmem:$0x1D400] =	vst v63  }
0x60: {  	s17 =	simm.s32 $0x700  }
0x61: {  	[tilespmem:s8], [sflag:$0x2] =	stream.indirect.gather [hbm4b:s4+s11], $0x20, s17, s11, $0xb8;
	[tilespmem:$0x1D400] =	vst v63  }
0x62: {  	s17 =	simm.s32 $0x780  }
0x63: {  	[tilespmem:s5], [sflag:$0x2] =	stream.indirect.gather [hbm4b:s4+s11], $0x20, s17, s11, $0xb8;
	[tilespmem:$0x1D400] =	vst v63  }
0x64: {  	s17 =	simm.s32 $0x800  }
0x65: {  	[tilespmem:s10], [sflag:$0x2] =	stream.indirect.gather [hbm4b:s4+s11], $0x20, s17, s11, $0xb8;
	[tilespmem:$0x1D400] =	vst v63  }
0x66: {  	s17 =	simm.s32 $0x880  }
0x67: {  	[tilespmem:s9], [sflag:$0x2] =	stream.indirect.gather [hbm4b:s4+s11], $0x20, s17, s11, $0xb8;
	[tilespmem:$0x1D400] =	vst v63  }
0x68: {  	s17 =	simm.s32 $0x900  }
0x69: {  	[tilespmem:s28], [sflag:$0x2] =	stream.indirect.gather [hbm4b:s4+s11], $0x20, s17, s11, $0xb8;
	[tilespmem:$0x1D400] =	vst v63  }
0x6a: {  	s17 =	simm.s32 $0x980  }
0x6b: {  	[tilespmem:s30], [sflag:$0x2] =	stream.indirect.gather [hbm4b:s4+s11], $0x20, s17, s11, $0xb8;
	[tilespmem:$0x1D400] =	vst v63  }
0x6c: {  	s17 =	simm.s32 $0xA00  }
0x6d: {  	[tilespmem:s31], [sflag:$0x2] =	stream.indirect.gather [hbm4b:s4+s11], $0x20, s17, s11, $0xb8;
	[tilespmem:$0x1D400] =	vst v63  }
0x6e: {  	s17 =	simm.s32 $0xA80  }
0x6f: {  	[tilespmem:s29], [sflag:$0x2] =	stream.indirect.gather [hbm4b:s4+s11], $0x20, s17, s11, $0xb8;
	[tilespmem:$0x1D400] =	vst v63  }
0x70: {  	s29 =	simm.s32 $0x19400;
	s17 =	simm.s32 $0xB00  }
0x71: {  	[tilespmem:s29], [sflag:$0x2] =	stream.indirect.gather [hbm4b:s4+s11], $0x20, s17, s11, $0xb8;
	[tilespmem:$0x1D400] =	vst v63  }
0x72: {  	s29 =	simm.s32 $0x1A400;
	s17 =	simm.s32 $0xB80  }
0x73: {  	[tilespmem:s29], [sflag:$0x2] =	stream.indirect.gather [hbm4b:s4+s11], $0x20, s17, s11, $0xb8;
	[tilespmem:$0x1D400] =	vst v63  }
0x74: {  	s29 =	simm.s32 $0x1B400;
	s17 =	simm.s32 $0xC00  }
0x75: {  	[tilespmem:s29], [sflag:$0x2] =	stream.indirect.gather [hbm4b:s4+s11], $0x20, s17, s11, $0xb8;
	[tilespmem:$0x1D400] =	vst v63  }
0x76: {  	s29 =	smov.u32 s19;
	s19 =	simm.s32 $0x1C400;
	s17 =	simm.s32 $0xC80  }
0x77: {  	[tilespmem:s19], [sflag:$0x2] =	stream.indirect.gather [hbm4b:s4+s11], $0x20, s17, s11, $0xb8;
	[tilespmem:$0x1D400] =	vst v63  }
0x78: {  	_ =	swait.ge [sflag:s2], $0x1000  }
0x79: {  	[sflag:s2] =	ssyncset.done $0x0  }
0x7a: {  	[sflag:s2] =	ssyncadd.s32 $0xFFFFF000  }
0x7b: {  	_ =	swait.ge [sflag:s2], $0x1000  }
0x7c: {  	[sflag:s2] =	ssyncset.done $0x0  }
0x7d: {  	[sflag:s2] =	ssyncadd.s32 $0xFFFFF000  }
0x7e: {  	_ =	swait.ge [sflag:s2], $0x1000  }
0x7f: {  	[sflag:s2] =	ssyncset.done $0x0  }
0x80: {  	[sflag:s2] =	ssyncadd.s32 $0xFFFFF000  }
0x81: {  	_ =	swait.ge [sflag:s2], $0x1000  }
0x82: {  	[sflag:s2] =	ssyncset.done $0x0  }
0x83: {  	[sflag:s2] =	ssyncadd.s32 $0xFFFFF000  }
0x84: {  	_ =	swait.ge [sflag:s2], $0x1000  }
0x85: {  	[sflag:s2] =	ssyncset.done $0x0  }
0x86: {  	[sflag:s2] =	ssyncadd.s32 $0xFFFFF000  }
0x87: {  	_ =	swait.ge [sflag:s2], $0x1000  }
0x88: {  	[sflag:s2] =	ssyncset.done $0x0  }
0x89: {  	[sflag:s2] =	ssyncadd.s32 $0xFFFFF000  }
0x8a: {  	_ =	swait.ge [sflag:s2], $0x1000  }
0x8b: {  	[sflag:s2] =	ssyncset.done $0x0  }
0x8c: {  	[sflag:s2] =	ssyncadd.s32 $0xFFFFF000  }
0x8d: {  	_ =	swait.ge [sflag:s2], $0x1000  }
0x8e: {  	[sflag:s2] =	ssyncset.done $0x0  }
0x8f: {  	[sflag:s2] =	ssyncadd.s32 $0xFFFFF000  }
0x90: {  	_ =	swait.ge [sflag:s2], $0x1000  }
0x91: {  	[sflag:s2] =	ssyncset.done $0x0  }
0x92: {  	[sflag:s2] =	ssyncadd.s32 $0xFFFFF000  }
0x93: {  	_ =	swait.ge [sflag:s2], $0x1000  }
0x94: {  	[sflag:s2] =	ssyncset.done $0x0  }
0x95: {  	[sflag:s2] =	ssyncadd.s32 $0xFFFFF000  }
0x96: {  	_ =	swait.ge [sflag:s2], $0x1000  }
0x97: {  	[sflag:s2] =	ssyncset.done $0x0  }
0x98: {  	[sflag:s2] =	ssyncadd.s32 $0xFFFFF000  }
0x99: {  	_ =	swait.ge [sflag:s2], $0x1000  }
0x9a: {  	[sflag:s2] =	ssyncset.done $0x0  }
0x9b: {  	[sflag:s2] =	ssyncadd.s32 $0xFFFFF000  }
0x9c: {  	_ =	swait.ge [sflag:s2], $0x1000  }
0x9d: {  	[sflag:s2] =	ssyncset.done $0x0  }
0x9e: {  	s17 =	rddreg [dreg:$0x6];
	[sflag:s2] =	ssyncadd.s32 $0xFFFFF000  }
0x9f: {  	[hbm4b:s17+s3] =	stream.linear.scatter [tilespmem:s24], [sflag:$0x4], $0xD000, $0x38;
	[tilespmem:$0x1D400] =	vst v63  }
0xa0: {  	_ =	swait.ge [sflag:s13], $0xD000  }
0xa1: {  	[sflag:s13] =	ssyncset.done $0x0  }
0xa2: {  	s17 =	simm.s32 $0xD00;
	[sflag:s13] =	ssyncadd.s32 $0xFFFF3000  }
0xa3: {  	[tilespmem:s12], [sflag:$0x1] =	stream.indirect.gather [hbm4b:s4+s11], $0x20, s17, s11, $0xb8;
	[tilespmem:$0x1D400] =	vst v63  }
0xa4: {  	s17 =	simm.s32 $0xD80  }
0xa5: {  	[tilespmem:s21], [sflag:$0x1] =	stream.indirect.gather [hbm4b:s4+s11], $0x20, s17, s11, $0xb8;
	[tilespmem:$0x1D400] =	vst v63  }
0xa6: {  	s21 =	simm.s32 $0xE00  }
0xa7: {  	[tilespmem:s1], [sflag:$0x1] =	stream.indirect.gather [hbm4b:s4+s11], $0x20, s21, s11, $0xb8;
	[tilespmem:$0x1D400] =	vst v63  }
0xa8: {  	s1 =	simm.s32 $0xE80  }
0xa9: {  	[tilespmem:s14], [sflag:$0x1] =	stream.indirect.gather [hbm4b:s4+s11], $0x20, s1, s11, $0xb8;
	[tilespmem:$0x1D400] =	vst v63  }
0xaa: {  	s14 =	simm.s32 $0xF00  }
0xab: {  	[tilespmem:s18], [sflag:$0x1] =	stream.indirect.gather [hbm4b:s4+s11], $0x20, s14, s11, $0xb8;
	[tilespmem:$0x1D400] =	vst v63  }
0xac: {  	s18 =	simm.s32 $0xF80  }
0xad: {  	[tilespmem:s23], [sflag:$0x1] =	stream.indirect.gather [hbm4b:s4+s11], $0x20, s18, s11, $0xb8;
	[tilespmem:$0x1D400] =	vst v63  }
0xae: {  	s21 =	simm.s32 $0x1000  }
0xaf: {  	[tilespmem:s0], [sflag:$0x1] =	stream.indirect.gather [hbm4b:s4+s11], $0x20, s21, s11, $0xb8;
	[tilespmem:$0x1D400] =	vst v63  }
0xb0: {  	s23 =	simm.s32 $0x1080  }
0xb1: {  	[tilespmem:s22], [sflag:$0x1] =	stream.indirect.gather [hbm4b:s4+s11], $0x20, s23, s11, $0xb8;
	[tilespmem:$0x1D400] =	vst v63  }
0xb2: {  	s0 =	simm.s32 $0x1100  }
0xb3: {  	[tilespmem:s25], [sflag:$0x1] =	stream.indirect.gather [hbm4b:s4+s11], $0x20, s0, s11, $0xb8;
	[tilespmem:$0x1D400] =	vst v63  }
0xb4: {  	s1 =	simm.s32 $0x1180  }
0xb5: {  	[tilespmem:s26], [sflag:$0x1] =	stream.indirect.gather [hbm4b:s4+s11], $0x20, s1, s11, $0xb8;
	[tilespmem:$0x1D400] =	vst v63  }
0xb6: {  	s14 =	simm.s32 $0x1200  }
0xb7: {  	[tilespmem:s16], [sflag:$0x1] =	stream.indirect.gather [hbm4b:s4+s11], $0x20, s14, s11, $0xb8;
	[tilespmem:$0x1D400] =	vst v63  }
0xb8: {  	s16 =	simm.s32 $0x1280  }
0xb9: {  	[tilespmem:s6], [sflag:$0x1] =	stream.indirect.gather [hbm4b:s4+s11], $0x20, s16, s11, $0xb8;
	[tilespmem:$0x1D400] =	vst v63  }
0xba: {  	s18 =	simm.s32 $0x1300  }
0xbb: {  	[tilespmem:s7], [sflag:$0x1] =	stream.indirect.gather [hbm4b:s4+s11], $0x20, s18, s11, $0xb8;
	[tilespmem:$0x1D400] =	vst v63  }
0xbc: {  	_ =	swait.ge [sflag:s20], $0x1000  }
0xbd: {  	[sflag:s20] =	ssyncset.done $0x0  }
0xbe: {  	[sflag:s20] =	ssyncadd.s32 $0xFFFFF000  }
0xbf: {  	_ =	swait.ge [sflag:s20], $0x1000  }
0xc0: {  	[sflag:s20] =	ssyncset.done $0x0  }
0xc1: {  	[sflag:s20] =	ssyncadd.s32 $0xFFFFF000  }
0xc2: {  	_ =	swait.ge [sflag:s20], $0x1000  }
0xc3: {  	[sflag:s20] =	ssyncset.done $0x0  }
0xc4: {  	[sflag:s20] =	ssyncadd.s32 $0xFFFFF000  }
0xc5: {  	_ =	swait.ge [sflag:s20], $0x1000  }
0xc6: {  	[sflag:s20] =	ssyncset.done $0x0  }
0xc7: {  	[sflag:s20] =	ssyncadd.s32 $0xFFFFF000  }
0xc8: {  	_ =	swait.ge [sflag:s20], $0x1000  }
0xc9: {  	[sflag:s20] =	ssyncset.done $0x0  }
0xca: {  	[sflag:s20] =	ssyncadd.s32 $0xFFFFF000  }
0xcb: {  	_ =	swait.ge [sflag:s20], $0x1000  }
0xcc: {  	[sflag:s20] =	ssyncset.done $0x0  }
0xcd: {  	[sflag:s20] =	ssyncadd.s32 $0xFFFFF000  }
0xce: {  	_ =	swait.ge [sflag:s20], $0x1000  }
0xcf: {  	[sflag:s20] =	ssyncset.done $0x0  }
0xd0: {  	[sflag:s20] =	ssyncadd.s32 $0xFFFFF000  }
0xd1: {  	_ =	swait.ge [sflag:s20], $0x1000  }
0xd2: {  	[sflag:s20] =	ssyncset.done $0x0  }
0xd3: {  	[sflag:s20] =	ssyncadd.s32 $0xFFFFF000  }
0xd4: {  	_ =	swait.ge [sflag:s20], $0x1000  }
0xd5: {  	[sflag:s20] =	ssyncset.done $0x0  }
0xd6: {  	[sflag:s20] =	ssyncadd.s32 $0xFFFFF000  }
0xd7: {  	_ =	swait.ge [sflag:s20], $0x1000  }
0xd8: {  	[sflag:s20] =	ssyncset.done $0x0  }
0xd9: {  	[sflag:s20] =	ssyncadd.s32 $0xFFFFF000  }
0xda: {  	_ =	swait.ge [sflag:s20], $0x1000  }
0xdb: {  	[sflag:s20] =	ssyncset.done $0x0  }
0xdc: {  	[sflag:s20] =	ssyncadd.s32 $0xFFFFF000  }
0xdd: {  	_ =	swait.ge [sflag:s20], $0x1000  }
0xde: {  	[sflag:s20] =	ssyncset.done $0x0  }
0xdf: {  	[sflag:s20] =	ssyncadd.s32 $0xFFFFF000  }
0xe0: {  	_ =	swait.ge [sflag:s20], $0x1000  }
0xe1: {  	s23 =	rddreg [dreg:$0x8]  }
0xe2: {  	[sflag:s20] =	ssyncset.done $0x0;
	s22 =	sshrl.u32 s23, $0x3  }
0xe3: {  	[sflag:s20] =	ssyncadd.s32 $0xFFFFF000;
	s17 =	sadd.s32 s29, s22  }
0xe4: {  	[hbm4b:s17+s3] =	stream.linear.scatter [tilespmem:s12], [sflag:$0x3], $0xD000, $0x38;
	[tilespmem:$0x1D400] =	vst v63  }
0xe5: {  	_ =	swait.ge [sflag:s15], $0xD000  }
0xe6: {  	[sflag:s15] =	ssyncset.done $0x0  }
0xe7: {  	s25 =	simm.s32 $0x1380;
	[sflag:s15] =	ssyncadd.s32 $0xFFFF3000  }
0xe8: {  	[tilespmem:s24], [sflag:$0x2] =	stream.indirect.gather [hbm4b:s4+s11], $0x20, s25, s11, $0xb8;
	[tilespmem:$0x1D400] =	vst v63  }
0xe9: {  	s26 =	simm.s32 $0x1400  }
0xea: {  	[tilespmem:s8], [sflag:$0x2] =	stream.indirect.gather [hbm4b:s4+s11], $0x20, s26, s11, $0xb8;
	[tilespmem:$0x1D400] =	vst v63  }
0xeb: {  	s1 =	simm.s32 $0x1480  }
0xec: {  	[tilespmem:s5], [sflag:$0x2] =	stream.indirect.gather [hbm4b:s4+s11], $0x20, s1, s11, $0xb8;
	[tilespmem:$0x1D400] =	vst v63  }
0xed: {  	s5 =	simm.s32 $0x1500  }
0xee: {  	[tilespmem:s10], [sflag:$0x2] =	stream.indirect.gather [hbm4b:s4+s11], $0x20, s5, s11, $0xb8;
	[tilespmem:$0x1D400] =	vst v63  }
0xef: {  	s6 =	simm.s32 $0x1580  }
0xf0: {  	[tilespmem:s9], [sflag:$0x2] =	stream.indirect.gather [hbm4b:s4+s11], $0x20, s6, s11, $0xb8;
	[tilespmem:$0x1D400] =	vst v63  }
0xf1: {  	s7 =	simm.s32 $0x1600  }
0xf2: {  	[tilespmem:s28], [sflag:$0x2] =	stream.indirect.gather [hbm4b:s4+s11], $0x20, s7, s11, $0xb8;
	[tilespmem:$0x1D400] =	vst v63  }
0xf3: {  	s8 =	simm.s32 $0x1680  }
0xf4: {  	[tilespmem:s30], [sflag:$0x2] =	stream.indirect.gather [hbm4b:s4+s11], $0x20, s8, s11, $0xb8;
	[tilespmem:$0x1D400] =	vst v63  }
0xf5: {  	s9 =	simm.s32 $0x1700  }
0xf6: {  	[tilespmem:s31], [sflag:$0x2] =	stream.indirect.gather [hbm4b:s4+s11], $0x20, s9, s11, $0xb8;
	[tilespmem:$0x1D400] =	vst v63  }
0xf7: {  	s21 =	simm.s32 $0x18400;
	s10 =	simm.s32 $0x1780  }
0xf8: {  	[tilespmem:s21], [sflag:$0x2] =	stream.indirect.gather [hbm4b:s4+s11], $0x20, s10, s11, $0xb8;
	[tilespmem:$0x1D400] =	vst v63  }
0xf9: {  	s14 =	simm.s32 $0x1800;
	s16 =	simm.s32 $0x19400  }
0xfa: {  	[tilespmem:s16], [sflag:$0x2] =	stream.indirect.gather [hbm4b:s4+s11], $0x20, s14, s11, $0xb8;
	[tilespmem:$0x1D400] =	vst v63  }
0xfb: {  	s18 =	simm.s32 $0x1880;
	s21 =	simm.s32 $0x1A400  }
0xfc: {  	[tilespmem:s21], [sflag:$0x2] =	stream.indirect.gather [hbm4b:s4+s11], $0x20, s18, s11, $0xb8;
	[tilespmem:$0x1D400] =	vst v63  }
0xfd: {  	s22 =	simm.s32 $0x1900;
	s25 =	simm.s32 $0x1B400  }
0xfe: {  	[tilespmem:s25], [sflag:$0x2] =	stream.indirect.gather [hbm4b:s4+s11], $0x20, s22, s11, $0xb8;
	[tilespmem:$0x1D400] =	vst v63  }
0xff: {  	s19 =	simm.s32 $0x1C400;
	s26 =	simm.s32 $0x1980  }
0x100: {  	[tilespmem:s19], [sflag:$0x2] =	stream.indirect.gather [hbm4b:s4+s11], $0x20, s26, s11, $0xb8;
	[tilespmem:$0x1D400] =	vst v63  }
0x101: {  	_ =	swait.ge [sflag:s2], $0x1000  }
0x102: {  	[sflag:s2] =	ssyncset.done $0x0  }
0x103: {  	[sflag:s2] =	ssyncadd.s32 $0xFFFFF000  }
0x104: {  	_ =	swait.ge [sflag:s2], $0x1000  }
0x105: {  	[sflag:s2] =	ssyncset.done $0x0  }
0x106: {  	[sflag:s2] =	ssyncadd.s32 $0xFFFFF000  }
0x107: {  	_ =	swait.ge [sflag:s2], $0x1000  }
0x108: {  	[sflag:s2] =	ssyncset.done $0x0  }
0x109: {  	[sflag:s2] =	ssyncadd.s32 $0xFFFFF000  }
0x10a: {  	_ =	swait.ge [sflag:s2], $0x1000  }
0x10b: {  	[sflag:s2] =	ssyncset.done $0x0  }
0x10c: {  	[sflag:s2] =	ssyncadd.s32 $0xFFFFF000  }
0x10d: {  	_ =	swait.ge [sflag:s2], $0x1000  }
0x10e: {  	[sflag:s2] =	ssyncset.done $0x0  }
0x10f: {  	[sflag:s2] =	ssyncadd.s32 $0xFFFFF000  }
0x110: {  	_ =	swait.ge [sflag:s2], $0x1000  }
0x111: {  	[sflag:s2] =	ssyncset.done $0x0  }
0x112: {  	[sflag:s2] =	ssyncadd.s32 $0xFFFFF000  }
0x113: {  	_ =	swait.ge [sflag:s2], $0x1000  }
0x114: {  	[sflag:s2] =	ssyncset.done $0x0  }
0x115: {  	[sflag:s2] =	ssyncadd.s32 $0xFFFFF000  }
0x116: {  	_ =	swait.ge [sflag:s2], $0x1000  }
0x117: {  	[sflag:s2] =	ssyncset.done $0x0  }
0x118: {  	[sflag:s2] =	ssyncadd.s32 $0xFFFFF000  }
0x119: {  	_ =	swait.ge [sflag:s2], $0x1000  }
0x11a: {  	[sflag:s2] =	ssyncset.done $0x0  }
0x11b: {  	[sflag:s2] =	ssyncadd.s32 $0xFFFFF000  }
0x11c: {  	_ =	swait.ge [sflag:s2], $0x1000  }
0x11d: {  	[sflag:s2] =	ssyncset.done $0x0  }
0x11e: {  	s0 =	simm.s32 $0x9400;
	s17 =	simm.s32 $0x3400;
	[sflag:s2] =	ssyncadd.s32 $0xFFFFF000  }
0x11f: {  	s1 =	simm.s32 $0x15400;
	s5 =	simm.s32 $0x12400;
	_ =	swait.ge [sflag:s2], $0x1000  }
0x120: {  	s6 =	simm.s32 $0xE400;
	s7 =	simm.s32 $0xF400;
	[sflag:s2] =	ssyncset.done $0x0  }
0x121: {  	s28 =	smov.u32 s29;
	s8 =	simm.s32 $0x11400;
	[sflag:s2] =	ssyncadd.s32 $0xFFFFF000  }
0x122: {  	s30 =	simm.s32 $0x4400;
	s9 =	simm.s32 $0x14400;
	_ =	swait.ge [sflag:s2], $0x1000  }
0x123: {  	s31 =	simm.s32 $0xB400;
	s10 =	simm.s32 $0x13400;
	[sflag:s2] =	ssyncset.done $0x0  }
0x124: {  	s16 =	simm.s32 $0xD400;
	s14 =	simm.s32 $0x16400;
	[sflag:s2] =	ssyncadd.s32 $0xFFFFF000  }
0x125: {  	s18 =	simm.s32 $0x17400;
	s22 =	simm.s32 $0xA400;
	_ =	swait.ge [sflag:s2], $0x1000  }
0x126: {  	s26 =	simm.s32 $0xC400;
	s29 =	rddreg [dreg:$0x3];
	[sflag:s2] =	ssyncset.done $0x0  }
0x127: {  	s19 =	sadd.s32 $0x1A000, s23;
	[sflag:s2] =	ssyncadd.s32 $0xFFFFF000;
	s21 =	sadd.s32 $0x0, s29  }
.LBB2_2:
0x128: {  	[hbm4b:s21+s3] =	stream.linear.scatter [tilespmem:s24], [sflag:$0x4], $0xD000, $0x38;
	[tilespmem:$0x1D400] =	vst v63  }
0x129: {  	s21 =	smov.u32 s17;
	_ =	swait.ge [sflag:s13], $0xD000  }
0x12a: {  	s23 =	sshra.s32 s21, $0x2;
	[sflag:s13] =	ssyncset.done $0x0  }
0x12b: {  	s25 =	sadd.s32 $0xD00, s23;
	[sflag:s13] =	ssyncadd.s32 $0xFFFF3000  }
0x12c: {  	[tilespmem:s12], [sflag:$0x1] =	stream.indirect.gather [hbm4b:s4+s11], $0x20, s25, s11, $0xb8;
	[tilespmem:$0x1D400] =	vst v63  }
0x12d: {  	s29 =	sadd.s32 $0xD80, s23  }
0x12e: {  	[tilespmem:s30], [sflag:$0x1] =	stream.indirect.gather [hbm4b:s4+s11], $0x20, s29, s11, $0xb8;
	[tilespmem:$0x1D400] =	vst v63  }
0x12f: {  	s25 =	sadd.s32 $0xE00, s23;
	s29 =	simm.s32 $0x5400  }
0x130: {  	[tilespmem:s29], [sflag:$0x1] =	stream.indirect.gather [hbm4b:s4+s11], $0x20, s25, s11, $0xb8;
	[tilespmem:$0x1D400] =	vst v63  }
0x131: {  	s25 =	sadd.s32 $0xE80, s23;
	s29 =	simm.s32 $0x6400  }
0x132: {  	[tilespmem:s29], [sflag:$0x1] =	stream.indirect.gather [hbm4b:s4+s11], $0x20, s25, s11, $0xb8;
	[tilespmem:$0x1D400] =	vst v63  }
0x133: {  	s25 =	sadd.s32 $0xF00, s23;
	s29 =	simm.s32 $0x7400  }
0x134: {  	[tilespmem:s29], [sflag:$0x1] =	stream.indirect.gather [hbm4b:s4+s11], $0x20, s25, s11, $0xb8;
	[tilespmem:$0x1D400] =	vst v63  }
0x135: {  	s25 =	sadd.s32 $0xF80, s23;
	s29 =	simm.s32 $0x8400  }
0x136: {  	[tilespmem:s29], [sflag:$0x1] =	stream.indirect.gather [hbm4b:s4+s11], $0x20, s25, s11, $0xb8;
	[tilespmem:$0x1D400] =	vst v63  }
0x137: {  	s29 =	sadd.s32 $0x1000, s23  }
0x138: {  	[tilespmem:s0], [sflag:$0x1] =	stream.indirect.gather [hbm4b:s4+s11], $0x20, s29, s11, $0xb8;
	[tilespmem:$0x1D400] =	vst v63  }
0x139: {  	s29 =	sadd.s32 $0x1080, s23  }
0x13a: {  	[tilespmem:s22], [sflag:$0x1] =	stream.indirect.gather [hbm4b:s4+s11], $0x20, s29, s11, $0xb8;
	[tilespmem:$0x1D400] =	vst v63  }
0x13b: {  	s29 =	sadd.s32 $0x1100, s23  }
0x13c: {  	[tilespmem:s31], [sflag:$0x1] =	stream.indirect.gather [hbm4b:s4+s11], $0x20, s29, s11, $0xb8;
	[tilespmem:$0x1D400] =	vst v63  }
0x13d: {  	s29 =	sadd.s32 $0x1180, s23  }
0x13e: {  	[tilespmem:s26], [sflag:$0x1] =	stream.indirect.gather [hbm4b:s4+s11], $0x20, s29, s11, $0xb8;
	[tilespmem:$0x1D400] =	vst v63  }
0x13f: {  	s29 =	sadd.s32 $0x1200, s23  }
0x140: {  	[tilespmem:s16], [sflag:$0x1] =	stream.indirect.gather [hbm4b:s4+s11], $0x20, s29, s11, $0xb8;
	[tilespmem:$0x1D400] =	vst v63  }
0x141: {  	s29 =	sadd.s32 $0x1280, s23  }
0x142: {  	[tilespmem:s6], [sflag:$0x1] =	stream.indirect.gather [hbm4b:s4+s11], $0x20, s29, s11, $0xb8;
	[tilespmem:$0x1D400] =	vst v63  }
0x143: {  	s29 =	sadd.s32 $0x1300, s23  }
0x144: {  	[tilespmem:s7], [sflag:$0x1] =	stream.indirect.gather [hbm4b:s4+s11], $0x20, s29, s11, $0xb8;
	[tilespmem:$0x1D400] =	vst v63  }
0x145: {  	_ =	swait.ge [sflag:s20], $0x1000  }
0x146: {  	[sflag:s20] =	ssyncset.done $0x0  }
0x147: {  	[sflag:s20] =	ssyncadd.s32 $0xFFFFF000  }
0x148: {  	_ =	swait.ge [sflag:s20], $0x1000  }
0x149: {  	[sflag:s20] =	ssyncset.done $0x0  }
0x14a: {  	[sflag:s20] =	ssyncadd.s32 $0xFFFFF000  }
0x14b: {  	_ =	swait.ge [sflag:s20], $0x1000  }
0x14c: {  	[sflag:s20] =	ssyncset.done $0x0  }
0x14d: {  	[sflag:s20] =	ssyncadd.s32 $0xFFFFF000  }
0x14e: {  	_ =	swait.ge [sflag:s20], $0x1000  }
0x14f: {  	[sflag:s20] =	ssyncset.done $0x0  }
0x150: {  	[sflag:s20] =	ssyncadd.s32 $0xFFFFF000  }
0x151: {  	_ =	swait.ge [sflag:s20], $0x1000  }
0x152: {  	[sflag:s20] =	ssyncset.done $0x0  }
0x153: {  	[sflag:s20] =	ssyncadd.s32 $0xFFFFF000  }
0x154: {  	_ =	swait.ge [sflag:s20], $0x1000  }
0x155: {  	[sflag:s20] =	ssyncset.done $0x0  }
0x156: {  	[sflag:s20] =	ssyncadd.s32 $0xFFFFF000  }
0x157: {  	_ =	swait.ge [sflag:s20], $0x1000  }
0x158: {  	[sflag:s20] =	ssyncset.done $0x0  }
0x159: {  	[sflag:s20] =	ssyncadd.s32 $0xFFFFF000  }
0x15a: {  	_ =	swait.ge [sflag:s20], $0x1000  }
0x15b: {  	[sflag:s20] =	ssyncset.done $0x0  }
0x15c: {  	[sflag:s20] =	ssyncadd.s32 $0xFFFFF000  }
0x15d: {  	_ =	swait.ge [sflag:s20], $0x1000  }
0x15e: {  	[sflag:s20] =	ssyncset.done $0x0  }
0x15f: {  	[sflag:s20] =	ssyncadd.s32 $0xFFFFF000  }
0x160: {  	_ =	swait.ge [sflag:s20], $0x1000  }
0x161: {  	[sflag:s20] =	ssyncset.done $0x0  }
0x162: {  	[sflag:s20] =	ssyncadd.s32 $0xFFFFF000  }
0x163: {  	_ =	swait.ge [sflag:s20], $0x1000  }
0x164: {  	[sflag:s20] =	ssyncset.done $0x0  }
0x165: {  	[sflag:s20] =	ssyncadd.s32 $0xFFFFF000  }
0x166: {  	_ =	swait.ge [sflag:s20], $0x1000  }
0x167: {  	[sflag:s20] =	ssyncset.done $0x0  }
0x168: {  	[sflag:s20] =	ssyncadd.s32 $0xFFFFF000  }
0x169: {  	_ =	swait.ge [sflag:s20], $0x1000  }
0x16a: {  	s29 =	sshrl.u32 s19, $0x3;
	[sflag:s20] =	ssyncset.done $0x0  }
0x16b: {  	s25 =	sadd.s32 s28, s29;
	[sflag:s20] =	ssyncadd.s32 $0xFFFFF000  }
0x16c: {  	[hbm4b:s25+s3] =	stream.linear.scatter [tilespmem:s12], [sflag:$0x3], $0xD000, $0x38;
	[tilespmem:$0x1D400] =	vst v63  }
0x16d: {  	_ =	swait.ge [sflag:s15], $0xD000  }
0x16e: {  	[sflag:s15] =	ssyncset.done $0x0  }
0x16f: {  	s29 =	sadd.s32 $0x1380, s23;
	[sflag:s15] =	ssyncadd.s32 $0xFFFF3000  }
0x170: {  	[tilespmem:s24], [sflag:$0x2] =	stream.indirect.gather [hbm4b:s4+s11], $0x20, s29, s11, $0xb8;
	[tilespmem:$0x1D400] =	vst v63  }
0x171: {  	s29 =	sadd.s32 $0x1400, s23  }
0x172: {  	[tilespmem:s8], [sflag:$0x2] =	stream.indirect.gather [hbm4b:s4+s11], $0x20, s29, s11, $0xb8;
	[tilespmem:$0x1D400] =	vst v63  }
0x173: {  	s29 =	sadd.s32 $0x1480, s23  }
0x174: {  	[tilespmem:s5], [sflag:$0x2] =	stream.indirect.gather [hbm4b:s4+s11], $0x20, s29, s11, $0xb8;
	[tilespmem:$0x1D400] =	vst v63  }
0x175: {  	s29 =	sadd.s32 $0x1500, s23  }
0x176: {  	[tilespmem:s10], [sflag:$0x2] =	stream.indirect.gather [hbm4b:s4+s11], $0x20, s29, s11, $0xb8;
	[tilespmem:$0x1D400] =	vst v63  }
0x177: {  	s29 =	sadd.s32 $0x1580, s23  }
0x178: {  	[tilespmem:s9], [sflag:$0x2] =	stream.indirect.gather [hbm4b:s4+s11], $0x20, s29, s11, $0xb8;
	[tilespmem:$0x1D400] =	vst v63  }
0x179: {  	s29 =	sadd.s32 $0x1600, s23  }
0x17a: {  	[tilespmem:s1], [sflag:$0x2] =	stream.indirect.gather [hbm4b:s4+s11], $0x20, s29, s11, $0xb8;
	[tilespmem:$0x1D400] =	vst v63  }
0x17b: {  	s29 =	sadd.s32 $0x1680, s23  }
0x17c: {  	[tilespmem:s14], [sflag:$0x2] =	stream.indirect.gather [hbm4b:s4+s11], $0x20, s29, s11, $0xb8;
	[tilespmem:$0x1D400] =	vst v63  }
0x17d: {  	s29 =	sadd.s32 $0x1700, s23  }
0x17e: {  	[tilespmem:s18], [sflag:$0x2] =	stream.indirect.gather [hbm4b:s4+s11], $0x20, s29, s11, $0xb8;
	[tilespmem:$0x1D400] =	vst v63  }
0x17f: {  	s25 =	sadd.s32 $0x1780, s23;
	s29 =	simm.s32 $0x18400  }
0x180: {  	[tilespmem:s29], [sflag:$0x2] =	stream.indirect.gather [hbm4b:s4+s11], $0x20, s25, s11, $0xb8;
	[tilespmem:$0x1D400] =	vst v63  }
0x181: {  	s25 =	sadd.s32 $0x1800, s23;
	s29 =	simm.s32 $0x19400  }
0x182: {  	[tilespmem:s29], [sflag:$0x2] =	stream.indirect.gather [hbm4b:s4+s11], $0x20, s25, s11, $0xb8;
	[tilespmem:$0x1D400] =	vst v63  }
0x183: {  	s25 =	sadd.s32 $0x1880, s23;
	s29 =	simm.s32 $0x1A400  }
0x184: {  	[tilespmem:s29], [sflag:$0x2] =	stream.indirect.gather [hbm4b:s4+s11], $0x20, s25, s11, $0xb8;
	[tilespmem:$0x1D400] =	vst v63  }
0x185: {  	s25 =	sadd.s32 $0x1900, s23;
	s29 =	simm.s32 $0x1B400  }
0x186: {  	[tilespmem:s29], [sflag:$0x2] =	stream.indirect.gather [hbm4b:s4+s11], $0x20, s25, s11, $0xb8;
	[tilespmem:$0x1D400] =	vst v63  }
0x187: {  	s23 =	sadd.s32 $0x1980, s23;
	s29 =	simm.s32 $0x1C400  }
0x188: {  	[tilespmem:s29], [sflag:$0x2] =	stream.indirect.gather [hbm4b:s4+s11], $0x20, s23, s11, $0xb8;
	[tilespmem:$0x1D400] =	vst v63  }
0x189: {  	_ =	swait.ge [sflag:s2], $0x1000  }
0x18a: {  	[sflag:s2] =	ssyncset.done $0x0  }
0x18b: {  	[sflag:s2] =	ssyncadd.s32 $0xFFFFF000  }
0x18c: {  	_ =	swait.ge [sflag:s2], $0x1000  }
0x18d: {  	[sflag:s2] =	ssyncset.done $0x0  }
0x18e: {  	[sflag:s2] =	ssyncadd.s32 $0xFFFFF000  }
0x18f: {  	_ =	swait.ge [sflag:s2], $0x1000  }
0x190: {  	[sflag:s2] =	ssyncset.done $0x0  }
0x191: {  	[sflag:s2] =	ssyncadd.s32 $0xFFFFF000  }
0x192: {  	_ =	swait.ge [sflag:s2], $0x1000  }
0x193: {  	[sflag:s2] =	ssyncset.done $0x0  }
0x194: {  	[sflag:s2] =	ssyncadd.s32 $0xFFFFF000  }
0x195: {  	_ =	swait.ge [sflag:s2], $0x1000  }
0x196: {  	[sflag:s2] =	ssyncset.done $0x0  }
0x197: {  	[sflag:s2] =	ssyncadd.s32 $0xFFFFF000  }
0x198: {  	_ =	swait.ge [sflag:s2], $0x1000  }
0x199: {  	[sflag:s2] =	ssyncset.done $0x0  }
0x19a: {  	[sflag:s2] =	ssyncadd.s32 $0xFFFFF000  }
0x19b: {  	_ =	swait.ge [sflag:s2], $0x1000  }
0x19c: {  	[sflag:s2] =	ssyncset.done $0x0  }
0x19d: {  	[sflag:s2] =	ssyncadd.s32 $0xFFFFF000  }
0x19e: {  	_ =	swait.ge [sflag:s2], $0x1000  }
0x19f: {  	[sflag:s2] =	ssyncset.done $0x0  }
0x1a0: {  	[sflag:s2] =	ssyncadd.s32 $0xFFFFF000  }
0x1a1: {  	_ =	swait.ge [sflag:s2], $0x1000  }
0x1a2: {  	[sflag:s2] =	ssyncset.done $0x0  }
0x1a3: {  	[sflag:s2] =	ssyncadd.s32 $0xFFFFF000  }
0x1a4: {  	_ =	swait.ge [sflag:s2], $0x1000  }
0x1a5: {  	[sflag:s2] =	ssyncset.done $0x0  }
0x1a6: {  	[sflag:s2] =	ssyncadd.s32 $0xFFFFF000  }
0x1a7: {  	_ =	swait.ge [sflag:s2], $0x1000  }
0x1a8: {  	[sflag:s2] =	ssyncset.done $0x0  }
0x1a9: {  	[sflag:s2] =	ssyncadd.s32 $0xFFFFF000  }
0x1aa: {  	p0 =	sne.s32 s17, $0x6800;
	_ =	swait.ge [sflag:s2], $0x1000  }
.Ltmp0:
0x1ab: {  	[sflag:s2] =	ssyncset.done $0x0;
	(pc) =	sbr.rel @p0 .LBB2_2-.Ltmp0, $4  }
0x1ac: {  	[sflag:s2] =	ssyncadd.s32 $0xFFFFF000  }
0x1ad: {  	_ =	swait.ge [sflag:s2], $0x1000  }
0x1ae: {  	s17 =	sadd.s32 $0x3400, s17;
	[sflag:s2] =	ssyncset.done $0x0;
	s29 =	rddreg [dreg:$0x3]  }
0x1af: {  	s19 =	sadd.s32 $0x1A000, s19;
	[sflag:s2] =	ssyncadd.s32 $0xFFFFF000;
	s21 =	sadd.s32 s21, s29  }
0x1b0: {  	[hbm4b:s21+s3] =	stream.linear.scatter [tilespmem:s24], [sflag:$0x4], $0xD000, $0x38;
	[tilespmem:$0x1D400] =	vst v63  }
0x1b1: {  	_ =	swait.ge [sflag:s13], $0xD000  }
0x1b2: {  	s19 =	smov.u32 s28;
	[sflag:s13] =	ssyncset.done $0x0  }
0x1b3: {  	s21 =	simm.s32 $0x4400;
	s1 =	simm.s32 $0x5400;
	[sflag:s13] =	ssyncadd.s32 $0xFFFF3000  }
0x1b4: {  	s14 =	simm.s32 $0x6400;
	s18 =	simm.s32 $0x7400;
	_ =	swait.ge [sflag:s15], $0xD000  }
0x1b5: {  	s23 =	simm.s32 $0x8400;
	s22 =	simm.s32 $0xA400;
	s0 =	rddreg [dreg:$0x9]  }
0x1b6: {  	s25 =	simm.s32 $0xB400;
	s17 =	rddreg [dreg:$0x7];
	s0 =	sadd.s32 $0x1, s0  }
0x1b7: {  	s26 =	simm.s32 $0xC400;
	s16 =	simm.s32 $0xD400;
	p0 =	sne.s32 s0, s17  }
.Ltmp1:
0x1b8: {  	s6 =	simm.s32 $0xE400;
	s7 =	simm.s32 $0xF400;
	(pc) =	sbr.rel @p0 .LBB2_1-.Ltmp1, $4  }
0x1b9: {  	s8 =	simm.s32 $0x11400;
	s5 =	simm.s32 $0x12400;
	s10 =	simm.s32 $0x13400  }
0x1ba: {  	s9 =	simm.s32 $0x14400;
	s28 =	simm.s32 $0x15400;
	s30 =	simm.s32 $0x16400  }
0x1bb: {  	s31 =	simm.s32 $0x17400;
	s29 =	simm.s32 $0x18400;
	[sflag:s15] =	ssyncset.done $0x0  }
0x1bc: {  	[sflag:s15] =	ssyncadd.s32 $0xFFFF3000;
	[dreg:$0x9] =	wrdreg s0;
	s0 =	simm.s32 $0x9400  }
0x1bd: {  	_ =	sfence.sel $0x180000  }
0x1be: {  	[bflag:$0x0] =	sbarrier.arrive $0xFFFF  }
0x1bf: {  	_ =	strace $0x90000047  }
0x1c0: {  	s0 =	stileid.u32;
	[bflag:$0x2] =	sbarrier.arrive $0xFFFF  }
0x1c1: {  	p0 =	sne.s32 s0, $0x0;
	s0 =	rddreg [dreg:$0x2]  }
0x1c2: {  	s0 =	sadd.s32 @!p0 $0x100000, s0  }
0x1c3: {  	[sflag:s0] =	ssyncadd.tile.s32 @!p0 $0x1;
	_ =	shalt  }
.Lfunc_end2:
_tile_overlayer_lowered:
.L_overlay_start_2:
0x1c4: {  	(tag) =	ssettag $0x2  }
0x1c5: {  	s0 =	rddreg [dreg:$0x0];
	s2 =	stileid.u32  }
0x1c6: {  	s1 =	rddreg [dreg:$0x1];
	p0 =	sne.s32 s2, $0x0  }
0x1c7: {  	s3 =	rddreg [dreg:$0x2];
	[bflag:$0x3] =	sbarrier.arrive $0xFFFF;
	s2 =	simm.s32 @!p0 $0x1C05  }
0x1c8: {  	[timem:s3], [sflag:s2] =	dma.local @!p0 [hbm:s0], s1  }
0x1c9: {  	s0 =	simm.s32 @!p0 $0x5  }
0x1ca: {  	_ =	swait.ge @!p0 [sflag:s0], s1  }
0x1cb: {  	s1 =	ssub.s32 @!p0 $0x0, s1;
	[sflag:s0] =	ssyncset.done @!p0 $0x0  }
0x1cc: {  	[sflag:s0] =	ssyncadd.s32 @!p0 s1  }
0x1cd: {  	[bflag:$0x3] =	sbarrier.arrive $0xFFFF  }
0x1ce: {  	_ =	shalt  }

// kernel: sparse-core-data-format-call.cloned.1.call-start
scs
called_computation_lowered:
.L_overlay_start_0:
0x0: {  	s2 =	sld [smem:$0x3FD9]  }
0x1: {  	s3 =	sld [smem:$0x3FFE];
	_ =	sdelay $0x1  }
0x2: {  	s1 =	srdreg.scid  }
0x3: {  	s0 =	sand.u32 $0x1, s1  }
0x4: {  	s18 =	sshll.u32 s0, $0xA;
	s2 =	sadd.s32 s3, s2  }
0x5: {  	s2 =	sadd.s32 s2, s18  }
0x6: {  	[smem:$0x3FC6] =	sst s2  }
0x7: {  	_ = 	snop  }
0x8: {  	s2 =	sld [smem:$0x3FD0];
	(tm) =	ssettm $0x1  }
0x9: {  	s19 =	sld [smem:$0x3FFB];
	_ =	sdelay $0x3  }
0xa: {  	_ =	strace s19  }
0xb: {  	s3 =	sld [smem:$0x3FFC];
	_ =	sdelay $0x3  }
0xc: {  	_ =	strace s3  }
0xd: {  	s3 =	sld [smem:$0x3FFD];
	_ =	sdelay $0x3  }
0xe: {  	_ =	strace s3  }
0xf: {  	_ =	strace $0x8FFFFFFF  }
0x10: {  	s20 =	sld [smem:$0x3FDB];
	_ =	sdelay $0x1  }
0x11: {  	s4 =	simm.s32 $_scs_section_size  }
0x12: {  	s5 =	simm.s32 $_size__tile_overlayer_lowered;
	s6 =	simm.s32 $_tile_overlayer_lowered  }
0x13: {  	s23 =	simm.s32 $0x1BFF;
	s22 =	sshll.u32 s6, $0x1;
	s3 =	sadd.s32 s4, s20  }
0x14: {  	s7 =	simm.s32 $0x0;
	s21 =	sshll.u32 s5, $0x1;
	s5 =	sadd.s32 s22, s3  }
0x15: {  	[timem:s7], [sflag:s23] =	dma.local [hbm:s5], s21  }
0x16: {  	_ =	swait.ge [sflag:s23], s21  }
0x17: {  	s4 =	ssub.s32 $0x0, s21;
	[sflag:s23] =	ssyncset.done $0x0  }
0x18: {  	[sflag:s23] =	ssyncadd.s32 s4;
	_ =	sdelay $0x1  }
0x19: {  	s24 =	simm.s32 $0x1B8B  }
0x1a: {  	_ =	swait.ge [sflag:s24], $0x1  }
0x1b: {  	[sflag:s24] =	ssyncset.done $0x0  }
0x1c: {  	s26 =	simm.s32 $0x1B8E;
	s25 =	sld [smem:$0x3FFE];
	[sflag:s24] =	ssyncadd.s32 $0xFFFFFFFF  }
0x1d: {  	s27 =	simm.s32 $execute0_lowered;
	[smem:$0x3FD2] =	sst s26  }
0x1e: {  	s5 =	sshll.u32 s27, $0x1;
	_ =	strace $0x80000049;
	[dreg:$0x1] =	wrdreg $0xFFFFFFFF  }
0x1f: {  	s28 =	simm.s32 $_size_execute0_lowered;
	s3 =	sadd.s32 s3, s5;
	[dreg:$0x0] =	wrdreg $0x0  }
0x20: {  	s5 =	sshll.u32 s28, $0x1;
	[dreg:$0x2] =	wrdreg s3  }
0x21: {  	[dreg:$0x3] =	wrdreg s5  }
0x22: {  	[dreg:$0x4] =	wrdreg $0xC0  }
0x23: {  	_ =	task [dreg:s7], $0x5FFFF  }
0x24: {  	[dreg:$0x1] =	wrdreg $0xFFFFFFFF  }
0x25: {  	[dreg:$0x0] =	wrdreg $0x60  }
0x26: {  	[dreg:$0x2] =	wrdreg s25  }
0x27: {  	[dreg:$0x3] =	wrdreg s2  }
0x28: {  	[dreg:$0x4] =	wrdreg $0x9  }
0x29: {  	_ =	task.clear_ibuf [dreg:s7], $0x5FFFF;
	_ =	strace $0x90000049  }
0x2a: {  	s29 =	simm.s32 $0x9;
	_ =	strace $0x8000004B  }
0x2b: {  	_ =	swait.ge [sflag:s29], $0x1  }
0x2c: {  	[sflag:s29] =	ssyncadd.s32 $0xFFFFFFFF  }
0x2d: {  	_ =	strace $0x9000004B  }
0x2e: {  	_ =	sfence  }
0x2f: {  	s30 =	sld [smem:$0x0];
	_ =	sdelay $0x2  }
0x30: {  	s31 =	sshll.u32 s1, $0xD;
	s1 =	sshrl.u32 s1, $0x2  }
0x31: {  	s3 =	sand.u32 $0x4000, s31;
	s1 =	sadd.s32 s1, s30  }
0x32: {  	s0 =	sor.u32 s3, s0;
	s1 =	sshll.u32 s1, $0x11  }
0x33: {  	s0 =	sor.u32 s1, s0  }
0x34: {  	s0 =	sadd.s32 $0x8F2B, s0  }
0x35: {  	[sflag:s0] =	ssyncadd.remote.s32 $0x1  }
0x36: {  	_ =	sfence.sel $0xFFFF  }
0x37: {  	[dreg:$0x0] =	wrdreg $0xFFFFFFFF;
	(pc) =	sbr.abs _section_cstart, $3  }
0x38: {  	[dreg:$0x1] =	wrdreg $0xFFFFFFFF  }
0x39: {  	_ =	task.clear_ibuf [dreg:s7], $0x2FFFF;
	_ =	strace $0x9FFFFFFF  }
0x3a: {  	(tm) =	ssettm $0x7FFFFFFF  }
0x3b: {  	_ =	shalt  }
tec
execute0_lowered:
.L_overlay_start_1:
0x0: {  	(tag) =	ssettag $0x1  }
0x1: {  	s0 =	srdreg.scid  }
0x2: {  	s1 =	sshll.u32 s0, $0x4  }
0x3: {  	s0 =	stileid.u32;
	s1 =	sand.u32 $0x10, s1  }
0x4: {  	s1 =	sor.u32 s0, s1  }
0x5: {  	s6 =	rddreg [dreg:$0x0];
	s4 =	simm.s32 $0x1;
	s2 =	sshll.u32 s1, $0x7  }
0x6: {  	s7 =	simm.s32 $0x2;
	s12 =	simm.s32 $0x0;
	s1 =	ssub.s32 $0x4000, s2  }
0x7: {  	s8 =	simm.s32 $0x20000;
	s13 =	simm.s32 $0x0;
	s3 =	sand.u32 $0xF80, s1  }
0x8: {  	s9 =	simm.s32 $0x0;
	s5 =	sshrl.u32 s1, $0xC;
	p0 =	sne.s32 s3, $0x0  }
.Ltmp0:
0x9: {  	s1 =	rddreg [dreg:$0x2];
	s4 =	simm.s32 @!p0 $0x0;
	(pc) =	sbr.rel .LBB1_1-.Ltmp0, $4  }
0xa: {  	s11 =	simm.s32 $0x0;
	s3 =	rddreg [dreg:$0x1];
	s5 =	sadd.s32 s4, s5  }
0xb: {  	_ =	strace $0x8000004A;
	s4 =	simm.s32 $0x1;
	s5 =	smul.u32 $0x1A, s5  }
0xc: {  	s6 =	sadd.s32 $0xA00, s6;
	s10 =	smov.u32 s2;
	[sflag:s4] =	ssyncpa.u1 $0x0  }
0xd: {  	p0 =	por $0x0, $0x0;
	[sflag:s7] =	ssyncpa.u1 $0x0;
	s7 =	sor.u32 $0x1, s5  }
.LBB1_4:
0xe: {  	s16 =	sshll.u32 s13, $0x3;
	s17 =	sand.u32 $0x78, s13  }
0xf: {  	s30 =	sand.u32 $0xF800, s13;
	s12 =	sshll.u32 s12, $0x10;
	s16 =	sand.u32 $0x3C00, s16  }
0x10: {  	s31 =	sand.u32 $0x7, s13;
	s16 =	sor.u32 s17, s16;
	s17 =	sadd.s32 s3, s30  }
0x11: {  	s13 =	sshll.u32 s31, $0x12;
	s16 =	sshrl.u32 s16, $0x3;
	s12 =	sadd.s32 s12, s17  }
0x12: {  	[tilespmem:s15+$0x0 ss:$0x81] =	vst.msk $0xffff, v0;
	s13 =	sor.u32 $0x400, s13;
	s12 =	sadd.s32 s16, s12  }
0x13: {  	[hbm4b:s12+s13] =	stream.strided.scatter [tilespmem:s14], [sflag:$0x2], $0x1000, s8, s13, $0x20;
	[tilespmem:$0x4040] =	vst v63  }
.LBB1_5:
0x14: {  	s14 =	sadd.s32 $0x1, s9  }
0x15: {  	s12 =	sadd.s32 $0x1000, s10;
	s16 =	smov.u32 s10;
	p2 =	sgt.s32 s14, $0x19  }
0x16: {  	s16 =	smov.u32 @p2 s12  }
0x17: {  	s14 =	simm.s32 @p2 $0x0;
	p2 =	sgt.s32 s16, $0x3FFF  }
0x18: {  	s16 =	smov.u32 @p2 s2;
	p2 =	sne.s32 s11, s7  }
.Ltmp1:
0x19: {  	p1 =	slt.u32 s11, $0x2;
	(pc) =	sbr.rel @!p2 .LBB1_6-.Ltmp1, $4  }
0x1a: {  	s15 =	simm.s32 @!p1 $0x2  }
0x1b: {  	s13 =	smov.u32 s10;
	p0 =	por !p0, !p0;
	_ =	swait.ge @!p1 [sflag:s15], $0x1000  }
0x1c: {  	s12 =	smov.u32 s9;
	[sflag:s15] =	ssyncset.done @!p1 $0x0;
	s9 =	smov.u32 s14  }
0x1d: {  	s11 =	sadd.s32 $0x1, s11;
	[sflag:s15] =	ssyncadd.s32 @!p1 $0xFFFFF000;
	s10 =	smov.u32 s16  }
.LBB1_1:
0x1e: {  	p1 =	sge.u32 s11, s5  }
0x1f: {  	s31 =	sadd.s32 $0xFFFFFFFF, s11;
	s14 =	sxor.u32 @!p1 $0xFFFFFFFF, s11  }
0x20: {  	s15 =	sshll.u32 @!p1 s10, $0x9;
	s16 =	sshll.u32 @!p1 s9, $0x4;
	s17 =	simm.s32 @!p1 $0x1000  }
0x21: {  	s14 =	sshll.u32 @!p1 s14, $0xC;
	s16 =	sand.u32 @!p1 $0x1F0, s16;
	s15 =	sadd.s32 @!p1 s6, s15  }
0x22: {  	s14 =	sand.u32 @!p1 $0x1000, s14;
	s15 =	sadd.s32 @!p1 s16, s15;
	s16 =	simm.s32 @!p1 $0x20  }
0x23: {  	[tilespmem:s14], [sflag:$0x1] =	stream.strided.gather @!p1 [hbm4b:s15+s16], $0x1000, s17, s16, $0x38;
	[tilespmem:$0x4040] =	vst v63  }
0x24: {  	p1 =	sge.u32 s31, s5  }
.Ltmp2:
0x25: {  	_ = 	snop;
	(pc) =	sbr.rel @p1 .LBB1_5-.Ltmp2, $1  }
0x26: {  	_ =	sdelay $0x3  }
0x27: {  	s14 =	simm.s32 $0x1  }
0x28: {  	_ =	swait.ge [sflag:s4], $0x1000;
	s14 =	simm.s32 @!p0 $0x0  }
0x29: {  	[sflag:s4] =	ssyncset.done $0x0;
	s15 =	sshll.u32 s14, $0xC  }
0x2a: {  	[sflag:s4] =	ssyncadd.s32 $0xFFFFF000;
	s18 =	sor.u32 $0x10, s15  }
0x2b: {  	s14 =	smul.u32 $0x4080, s14;
	v1 =	vld [tilespmem:s18+$0x0]  }
0x2c: {  	s30 =	sand.u32 $0x1, s11;
	v0 =	vld [tilespmem:s18+$0xFFFFFFF0]  }
0x2d: {  	s15 =	smul.u32 $0x4080, s30;
	s14 =	sshrl.u32 s14, $0x2  }
0x2e: {  	s16 =	sor.u32 $0x2000, s14  }
0x2f: {  	s31 =	sshrl.u32 s15, $0x2;
	s15 =	sadd.s32 $0x0, s16  }
0x30: {  	s17 =	simm.s32 $0x4;
	s18 =	sadd.s32 $0x20, s18;
	s14 =	sor.u32 $0x2000, s31;
	[tilespmem:s15+$0x810 ss:$0x81] =	vst.msk $0xffff, v1  }
.LBB1_3:
0x31: {  	v1 =	vld [tilespmem:s18+$0x0];
	p1 =	sne.s32 s17, $0x1FC;
	[tilespmem:s15+$0x0 ss:$0x81] =	vst.msk $0xffff, v0;
	s15 =	smov.u32 s17;
	s17 =	sadd.s32 $0x4, s17  }
.Ltmp3:
0x32: {  	v0 =	vld [tilespmem:s18+$0xFFFFFFF0];
	(pc) =	sbr.rel @p1 .LBB1_3-.Ltmp3, $4  }
0x33: {  	_ = 	snop  }
0x34: {  	s15 =	sshra.s32 s15, $0x2  }
0x35: {  	s15 =	sadd.s32 s15, s16  }
0x36: {  	s18 =	sadd.s32 $0x20, s18;
	[tilespmem:s15+$0x810 ss:$0x81] =	vst.msk $0xffff, v1  }
.Ltmp4:
0x37: {  	_ = 	snop;
	(pc) =	sbr.rel .LBB1_4-.Ltmp4, $1  }
0x38: {  	_ =	sdelay $0x3  }
.LBB1_6:
0x39: {  	_ =	sfence.sel $0x180000  }
0x3a: {  	s2 =	simm.s32 $0x1;
	[bflag:$0x0] =	sbarrier.arrive $0xFFFF  }
0x3b: {  	s31 =	simm.s32 $0x2;
	[sflag:s2] =	ssyncpa.u1 $0x1  }
0x3c: {  	[sflag:s31] =	ssyncpa.u1 $0x1  }
0x3d: {  	p0 =	sne.s32 s0, $0x0;
	_ =	strace $0x9000004A  }
0x3e: {  	s0 =	sadd.s32 @!p0 $0x100000, s1;
	[bflag:$0x2] =	sbarrier.arrive $0xFFFF  }
0x3f: {  	[sflag:s0] =	ssyncadd.tile.s32 @!p0 $0x1;
	_ =	shalt  }
.Lfunc_end1:
_tile_overlayer_lowered:
.L_overlay_start_2:
0x40: {  	(tag) =	ssettag $0x2  }
0x41: {  	s0 =	rddreg [dreg:$0x0];
	s2 =	stileid.u32  }
0x42: {  	s1 =	rddreg [dreg:$0x1];
	p0 =	sne.s32 s2, $0x0  }
0x43: {  	s3 =	rddreg [dreg:$0x2];
	[bflag:$0x3] =	sbarrier.arrive $0xFFFF;
	s2 =	simm.s32 @!p0 $0x1C01  }
0x44: {  	[timem:s3], [sflag:s2] =	dma.local @!p0 [hbm:s0], s1  }
0x45: {  	s0 =	simm.s32 @!p0 $0x1  }
0x46: {  	_ =	swait.ge @!p0 [sflag:s0], s1  }
0x47: {  	s1 =	ssub.s32 @!p0 $0x0, s1;
	[sflag:s0] =	ssyncset.done @!p0 $0x0  }
0x48: {  	[sflag:s0] =	ssyncadd.s32 @!p0 s1  }
0x49: {  	[bflag:$0x3] =	sbarrier.arrive $0xFFFF  }
0x4a: {  	_ =	shalt  }

</sc_bundles>
